<compile_context>
chip_gen: v7x
topology: tpu7x:2x2x1
jax: 0.10.2.dev20260603
libtpu: 0.0.44.dev20260713+nightly
codegen_flags: <defaults>
</compile_context>

<pallas_src>
import functools

import jax
import jax.numpy as jnp
from jax import lax
from jax.experimental import pallas as pl
from jax.experimental.pallas import tpu as pltpu
from jax.experimental.pallas import tpu_sc as plsc

_XOR_MASK = 1 << 21
_N_WORKERS = 32
_CH = 32768
_NBUF = 2


def _make_fault_injector(n_words: int, n_faults: int):
    mesh = plsc.VectorSubcoreMesh(core_axis_name="c", subcore_axis_name="s")
    w_per = n_words // _N_WORKERS
    n_chunks = w_per // _CH
    n_vecs = n_faults // 16
    assert n_words % _N_WORKERS == 0 and w_per % (_CH * _NBUF) == 0
    assert n_faults % 16 == 0

    @functools.partial(
        pl.kernel,
        mesh=mesh,
        out_type=jax.ShapeDtypeStruct((n_words,), jnp.float32),
        scratch_types=[
            pltpu.VMEM((n_faults,), jnp.int32),
            pltpu.VMEM((n_faults + 16,), jnp.int32),
            pltpu.VMEM((n_faults + 16,), jnp.float32),
        ] + [pltpu.VMEM((_CH,), jnp.float32) for _ in range(_NBUF)]
          + [pltpu.SemaphoreType.DMA for _ in range(2 * _NBUF)],
        compiler_params=pltpu.CompilerParams(needs_layout_passes=False),
    )
    def injector(bits_in, idx_hbm, bits_out, idx_f, widx, wval, *rest):
        bufs = rest[:_NBUF]
        isems = rest[_NBUF:2 * _NBUF]
        osems = rest[2 * _NBUF:]
        cid = lax.axis_index("c")
        sid = lax.axis_index("s")
        wid = sid * 2 + cid
        lo_w = wid * w_per
        lanes = lax.iota(jnp.int32, 16)

        for b in range(_NBUF):
            sl = pl.ds(lo_w + b * _CH, _CH)
            pltpu.async_copy(bits_in.at[sl], bufs[b], isems[b])

        pltpu.sync_copy(idx_hbm, idx_f)

        def filt(t, cnt):
            iv = idx_f[pl.ds(t * 16, 16)]
            ov = ((iv & ~0x1F80) | ((iv & 0x1C00) >> 3)
                  | ((iv & 0x380) << 3))
            m = (ov >= lo_w) & (ov < lo_w + w_per)
            plsc.store_compressed(widx.at[pl.ds(cnt, 16)], ov - lo_w, mask=m)
            pop = plsc.all_reduce_population_count(m)
            return cnt + lax.reduce_max(pop, (0,))

        cnt = lax.fori_loop(0, n_vecs, filt, jnp.int32(0))
        nv = (cnt + 15) >> 4

        def apply_faults(b, c):
            lo_c = c * _CH

            def ph_gather(t, _):
                base = t * 16
                wl = widx[pl.ds(base, 16)]
                m = ((base + lanes) < cnt) & (wl >= lo_c) & (wl < lo_c + _CH)
                loc = jnp.where(m, wl - lo_c, 0)
                g = plsc.load_gather(bufs[b], [loc], mask=m)
                gb = plsc.bitcast(g, jnp.int32) ^ _XOR_MASK
                wval[pl.ds(base, 16)] = plsc.bitcast(gb, jnp.float32)
                return 0

            def ph_scatter(t, _):
                base = t * 16
                wl = widx[pl.ds(base, 16)]
                m = ((base + lanes) < cnt) & (wl >= lo_c) & (wl < lo_c + _CH)
                loc = jnp.where(m, wl - lo_c, 0)
                v = wval[pl.ds(base, 16)]
                plsc.store_scatter(bufs[b], [loc], v, mask=m)
                return 0

            lax.fori_loop(0, nv, ph_gather, 0)
            lax.fori_loop(0, nv, ph_scatter, 0)

        def ring_body(g, _):
            c0 = g * _NBUF
            for b in range(_NBUF):
                c = c0 + b
                pltpu.make_async_copy(
                    bits_in.at[pl.ds(0, _CH)], bufs[b], isems[b]).wait()
                apply_faults(b, c)
                pltpu.async_copy(
                    bufs[b], bits_out.at[pl.ds(lo_w + c * _CH, _CH)], osems[b])

            @pl.when(g < n_chunks // _NBUF - 1)
            def _():
                for b in range(_NBUF):
                    c = c0 + b
                    pltpu.make_async_copy(
                        bufs[b], bits_out.at[pl.ds(0, _CH)], osems[b]).wait()
                    sl = pl.ds(lo_w + (c + _NBUF) * _CH, _CH)
                    pltpu.async_copy(bits_in.at[sl], bufs[b], isems[b])

            return 0

        lax.fori_loop(0, n_chunks // _NBUF, ring_body, 0)
        for b in range(_NBUF):
            pltpu.make_async_copy(
                bufs[b], bits_out.at[pl.ds(0, _CH)], osems[b]).wait()

    return injector


def _mm_body(x_ref, w_ref, b_ref, o_ref):
    o_ref[...] = (
        jnp.dot(x_ref[...].astype(jnp.bfloat16),
                w_ref[...].astype(jnp.bfloat16),
                preferred_element_type=jnp.float32)
        + b_ref[...]
    )


def _matmul(x2d, w, b2d, bm: int):
    m, k = x2d.shape
    n = w.shape[1]
    return pl.pallas_call(
        _mm_body,
        grid=(m // bm,),
        in_specs=[
            pl.BlockSpec((bm, k), lambda i: (i, 0)),
            pl.BlockSpec((k, n), lambda i: (0, 0)),
            pl.BlockSpec((1, n), lambda i: (0, 0)),
        ],
        out_specs=pl.BlockSpec((bm, n), lambda i: (i, 0)),
        out_shape=jax.ShapeDtypeStruct((m, n), jnp.float32),
        compiler_params=pltpu.CompilerParams(
            dimension_semantics=("parallel",),
        ),
    )(x2d, w, b2d)


def kernel(input, fault_idx, W, b):
    m, k = input.shape
    assert (m, k) == (8192, 1024)
    x_t = jnp.transpose(
        input.reshape(m // 8, 8, k // 128, 128), (0, 2, 1, 3)).reshape(-1)
    injector = _make_fault_injector(x_t.shape[0], fault_idx.shape[0])
    faulty_t = injector(x_t, fault_idx)
    faulty = jnp.transpose(
        faulty_t.reshape(m // 8, k // 128, 8, 128),
        (0, 2, 1, 3)).reshape(m, k)
    return _matmul(faulty, W, b.reshape(1, -1), bm=1024)

# --- scband reference (transcript-rebuilt; emitter-appended) ---
"""Pipeline reference for scband-faulty-module-27307402068185 (READ-ONLY COPY).

The authoritative reference and input builder live on the scoring server;
editing this copy changes nothing except your own understanding.
"""

import jax, jax.numpy as jnp
import numpy as np

D_MODEL = 1024
N_TOK = 8192
NUM_FAULTS = 4096
XOR_MASK = np.int32(1 << 21)  # flip mantissa bit 21 of float32 (32-bit dtype)


def setup_inputs(seed: int = 0) -> dict:
    key = jax.random.key(seed)
    k1, k2, k3 = jax.random.split(key, 3)
    x = jax.random.normal(k1, (N_TOK, D_MODEL), dtype=jnp.float32)
    fault_idx = jax.random.randint(k2, (NUM_FAULTS,), 0, N_TOK * D_MODEL, dtype=jnp.int64).astype(jnp.int32)
    W = jax.random.normal(k3, (D_MODEL, D_MODEL), dtype=jnp.float32) * 0.02
    b = jnp.zeros((D_MODEL,), dtype=jnp.float32)
    return {"input": x, "fault_idx": fault_idx, "W": W, "b": b}


def reference(input, fault_idx, W, b):
    # inject_fault: bitwise XOR at randomly-chosen flat indices (scatter-overwrite into memory)
    flat = input.reshape(-1)
    bits = jax.lax.bitcast_convert_type(flat, jnp.int32)
    gathered = jnp.take(bits, fault_idx, axis=0)
    flipped = jnp.bitwise_xor(gathered, XOR_MASK)
    bits = bits.at[fault_idx].set(flipped)
    faulty = jax.lax.bitcast_convert_type(bits, jnp.float32).reshape(input.shape)
    # original_module (Linear) applied to the faulted input
    return faulty @ W + b

if __name__ == "__main__":
    import jax
    _d = setup_inputs()
    print(jax.jit(kernel)(*tuple(_d.values())))

</pallas_src>

<mosaic_0001>
#map = affine_map<(d0, d1) -> (0)>
module attributes {stable_mosaic.version = 14 : i64} {
  func.func @injector(%arg0: i32, %arg1: i32, %arg2: memref<8388608xf32, #tpu.memory_space<hbm>>, %arg3: memref<4096xi32, #tpu.memory_space<hbm>>, %arg4: memref<8388608xf32, #tpu.memory_space<hbm>>, %arg5: memref<4096xi32, #tpu.memory_space<vmem>>, %arg6: memref<4112xi32, #tpu.memory_space<vmem>>, %arg7: memref<4112xf32, #tpu.memory_space<vmem>>, %arg8: memref<32768xf32, #tpu.memory_space<vmem>>, %arg9: memref<32768xf32, #tpu.memory_space<vmem>>, %arg10: memref<!tpu.dma_semaphore, #tpu.memory_space<semaphore_mem>>, %arg11: memref<!tpu.dma_semaphore, #tpu.memory_space<semaphore_mem>>, %arg12: memref<!tpu.dma_semaphore, #tpu.memory_space<semaphore_mem>>, %arg13: memref<!tpu.dma_semaphore, #tpu.memory_space<semaphore_mem>>) attributes {dimension_semantics = [#tpu.dimension_semantics<core_parallel>, #tpu.dimension_semantics<subcore_parallel>], iteration_bounds = array<i64: 2, 16>, scalar_prefetch = 0 : i64, scratch_operands = 9 : i64, tpu.core_type = #tpu.core_type<sc_vector_subcore>, window_params = [{transform_indices = #map}, {transform_indices = #map}, {transform_indices = #map}]} {
    %mul3A = arith.constant 2 : i32
    %mul3A_0 = arith.muli %arg1, %mul3A : i32
    %add3A = arith.addi %mul3A_0, %arg0 : i32
    %mul3A_1 = arith.constant 262144 : i32
    %mul3A_2 = arith.muli %add3A, %mul3A_1 : i32
    %iota3A = tpu.iota {dimensions = array<i32: 0>} : vector<16xi32>
    %add3A_3 = arith.constant 0 : i32
    %add3A_4 = arith.addi %mul3A_2, %add3A_3 : i32
    %dma_start3A = tpu.memref_slice %arg2[%add3A_4] : memref<8388608xf32, #tpu.memory_space<hbm>> -> memref<32768xf32, #tpu.memory_space<hbm>>
    %dma_start3A_5 = tpu.memref_slice %arg2[%add3A_4] : memref<8388608xf32, #tpu.memory_space<hbm>> -> memref<32768xf32, #tpu.memory_space<hbm>>
    tpu.enqueue_dma source(%dma_start3A_5 : memref<32768xf32, #tpu.memory_space<hbm>>) target(%arg8 : memref<32768xf32, #tpu.memory_space<vmem>>) target_semaphore(%arg10 : memref<!tpu.dma_semaphore, #tpu.memory_space<semaphore_mem>>)
    %add3A_6 = arith.constant 32768 : i32
    %add3A_7 = arith.addi %mul3A_2, %add3A_6 : i32
    %dma_start3A_8 = tpu.memref_slice %arg2[%add3A_7] : memref<8388608xf32, #tpu.memory_space<hbm>> -> memref<32768xf32, #tpu.memory_space<hbm>>
    %dma_start3A_9 = tpu.memref_slice %arg2[%add3A_7] : memref<8388608xf32, #tpu.memory_space<hbm>> -> memref<32768xf32, #tpu.memory_space<hbm>>
    tpu.enqueue_dma source(%dma_start3A_9 : memref<32768xf32, #tpu.memory_space<hbm>>) target(%arg9 : memref<32768xf32, #tpu.memory_space<vmem>>) target_semaphore(%arg11 : memref<!tpu.dma_semaphore, #tpu.memory_space<semaphore_mem>>)
    "tpu.region"() ({
      %run_scoped3A = tpu.sem_alloc : memref<!tpu.dma_semaphore, #tpu.memory_space<semaphore_mem>>
      tpu.enqueue_dma source(%arg3 : memref<4096xi32, #tpu.memory_space<hbm>>) target(%arg5 : memref<4096xi32, #tpu.memory_space<vmem>>) target_semaphore(%run_scoped3A : memref<!tpu.dma_semaphore, #tpu.memory_space<semaphore_mem>>)
      tpu.wait_dma2 semaphore(%run_scoped3A : memref<!tpu.dma_semaphore, #tpu.memory_space<semaphore_mem>>) src(%arg3 : memref<4096xi32, #tpu.memory_space<hbm>>) dst(%arg5 : memref<4096xi32, #tpu.memory_space<vmem>>)
      tpu.yield
    }) : () -> ()
    %scan3A = arith.constant 0 : i32
    %scan3A_10 = arith.constant 0 : i32
    %scan3A_11 = arith.constant 256 : i32
    %scan3A_12 = arith.addi %scan3A_10, %scan3A_11 : i32
    %scan3A_13 = arith.constant 1 : i32
    %scan3A_14 = scf.for %scan3A_33 = %scan3A_10 to %scan3A_12 step %scan3A_13 iter_args(%scan3A_34 = %scan3A) -> (i32)  : i32 {
      %mul3A_35 = arith.constant 16 : i32
      %mul3A_36 = arith.muli %scan3A_33, %mul3A_35 : i32
      %get3A = arith.index_cast %mul3A_36 : i32 to index
      %get3A_37 = tpu.vector_load %arg5[%get3A] {strides = array<i32>} : memref<4096xi32, #tpu.memory_space<vmem>>, vector<16xi32>,
      %and3A = arith.constant -8065 : i32
      %and3A_38 = vector.broadcast %and3A : i32 to vector<16xi32>
      %and3A_39 = arith.andi %get3A_37, %and3A_38 : vector<16xi32>
      %and3A_40 = arith.constant 7168 : i32
      %and3A_41 = vector.broadcast %and3A_40 : i32 to vector<16xi32>
      %and3A_42 = arith.andi %get3A_37, %and3A_41 : vector<16xi32>
      %shift_right_arithmetic3A_43 = arith.constant 3 : i32
      %shift_right_arithmetic3A_44 = vector.broadcast %shift_right_arithmetic3A_43 : i32 to vector<16xi32>
      %shift_right_arithmetic3A_45 = arith.shrsi %and3A_42, %shift_right_arithmetic3A_44 : vector<16xi32>
      %or3A = arith.ori %and3A_39, %shift_right_arithmetic3A_45 : vector<16xi32>
      %and3A_46 = arith.constant 896 : i32
      %and3A_47 = vector.broadcast %and3A_46 : i32 to vector<16xi32>
      %and3A_48 = arith.andi %get3A_37, %and3A_47 : vector<16xi32>
      %shift_left3A = arith.constant 3 : i32
      %shift_left3A_49 = vector.broadcast %shift_left3A : i32 to vector<16xi32>
      %shift_left3A_50 = arith.shli %and3A_48, %shift_left3A_49 : vector<16xi32>
      %or3A_51 = arith.ori %or3A, %shift_left3A_50 : vector<16xi32>
      %ge3A = vector.broadcast %mul3A_2 : i32 to vector<16xi32>
      %ge3A_52 = arith.cmpi sge, %or3A_51, %ge3A : vector<16xi32>
      %add3A_53 = arith.constant 262144 : i32
      %add3A_54 = arith.addi %mul3A_2, %add3A_53 : i32
      %lt3A = vector.broadcast %add3A_54 : i32 to vector<16xi32>
      %lt3A_55 = arith.cmpi slt, %or3A_51, %lt3A : vector<16xi32>
      %and3A_56 = arith.andi %ge3A_52, %lt3A_55 : vector<16xi1>
      %sub3A = vector.broadcast %mul3A_2 : i32 to vector<16xi32>
      %sub3A_57 = arith.subi %or3A_51, %sub3A : vector<16xi32>
      %swap3A = arith.index_cast %scan3A_34 : i32 to index
      %swap3A_58 = tpu.vector_load %arg6[%swap3A] masked %and3A_56 {strides = array<i32>} : memref<4112xi32, #tpu.memory_space<vmem>>, vector<16xi32>, vector<16xi1>
      tpu.vector_store %arg6[%swap3A], %sub3A_57 masked %and3A_56 {strides = array<i32>} : memref<4112xi32, #tpu.memory_space<vmem>>, vector<16xi32>, vector<16xi1>
      %all_reduce_population_count3A = tpu.all_reduce %and3A_56 {dim = 0 : i64, kind = #tpu.reduction_kind<sum>} : vector<16xi1> -> vector<16xi32>
      %reduce_max3A = arith.constant true
      %reduce_max3A_59 = vector.broadcast %reduce_max3A : i1 to vector<16xi1>
      %reduce_max3A_60 = arith.constant -2147483648 : i32
      %reduce_max3A_61 = vector.broadcast %reduce_max3A_60 : i32 to vector<16xi32>
      %reduce_max3A_62 = arith.xori %all_reduce_population_count3A, %reduce_max3A_61 : vector<16xi32>
      %reduce_max3A_63 = tpu.scan <max>, %reduce_max3A_62 masked %reduce_max3A_59 : vector<16xi32>, vector<16xi1> -> vector<16xi32>
      %reduce_max3A_64 = arith.xori %reduce_max3A_63, %reduce_max3A_61 : vector<16xi32>
      %reduce_max3A_65 = vector.extract %reduce_max3A_64[15] : i32 from vector<16xi32>
      %add3A_66 = arith.addi %scan3A_34, %reduce_max3A_65 : i32
      scf.yield %add3A_66 : i32
    }
    %scan3A_15 = arith.constant 256 : i32
    %add3A_16 = arith.constant 15 : i32
    %add3A_17 = arith.addi %scan3A_14, %add3A_16 : i32
    %shift_right_arithmetic3A = arith.constant 4 : i32
    %shift_right_arithmetic3A_18 = arith.shrsi %add3A_17, %shift_right_arithmetic3A : i32
    %scan3A_19 = arith.constant 0 : i32
    %scan3A_20 = arith.constant 0 : i32
    %scan3A_21 = arith.constant 4 : i32
    %scan3A_22 = arith.addi %scan3A_20, %scan3A_21 : i32
    %scan3A_23 = arith.constant 1 : i32
    %scan3A_24 = scf.for %scan3A_33 = %scan3A_20 to %scan3A_22 step %scan3A_23 iter_args(%scan3A_34 = %scan3A_19) -> (i32)  : i32 {
      %mul3A_35 = arith.constant 2 : i32
      %mul3A_36 = arith.muli %scan3A_33, %mul3A_35 : i32
      %add3A_37 = arith.constant 0 : i32
      %add3A_38 = arith.addi %mul3A_36, %add3A_37 : i32
      %dma_wait3A_39 = arith.constant 0 : i32
      %dma_wait3A_40 = tpu.memref_slice %arg2[%dma_wait3A_39] : memref<8388608xf32, #tpu.memory_space<hbm>> -> memref<32768xf32, #tpu.memory_space<hbm>>
      %dma_wait3A_41 = arith.constant 0 : i32
      %dma_wait3A_42 = tpu.memref_slice %arg2[%dma_wait3A_41] : memref<8388608xf32, #tpu.memory_space<hbm>> -> memref<32768xf32, #tpu.memory_space<hbm>>
      tpu.wait_dma2 semaphore(%arg10 : memref<!tpu.dma_semaphore, #tpu.memory_space<semaphore_mem>>) src(%dma_wait3A_42 : memref<32768xf32, #tpu.memory_space<hbm>>) dst(%arg8 : memref<32768xf32, #tpu.memory_space<vmem>>)
      %mul3A_43 = arith.constant 32768 : i32
      %mul3A_44 = arith.muli %add3A_38, %mul3A_43 : i32
      %while3A = arith.constant 0 : i32
      %while3A_45 = arith.constant 0 : i32
      %while3A_46 = arith.subi %shift_right_arithmetic3A_18, %while3A : i32
      %while3A_47 = arith.addi %while3A, %while3A_46 : i32
      %while3A_48 = arith.constant 1 : i32
      %while3A_49 = arith.divsi %while3A_46, %while3A_48 : i32
      %while3A_50 = arith.muli %while3A_49, %while3A_48 : i32
      %while3A_51 = arith.addi %while3A, %while3A_50 : i32
      %while3A_52 = arith.constant 1 : i32
      %while3A_53 = scf.for %while3A_113 = %while3A to %while3A_51 step %while3A_52 iter_args(%while3A_114 = %while3A_45) -> (i32)  : i32 {
        %mul3A_115 = arith.constant 16 : i32
        %mul3A_116 = arith.muli %while3A_113, %mul3A_115 : i32
        %get3A = arith.index_cast %mul3A_116 : i32 to index
        %get3A_117 = tpu.vector_load %arg6[%get3A] {strides = array<i32>} : memref<4112xi32, #tpu.memory_space<vmem>>, vector<16xi32>,
        %add3A_118 = vector.broadcast %mul3A_116 : i32 to vector<16xi32>
        %add3A_119 = arith.addi %add3A_118, %iota3A : vector<16xi32>
        %lt3A_120 = vector.broadcast %scan3A_14 : i32 to vector<16xi32>
        %lt3A_121 = arith.cmpi slt, %add3A_119, %lt3A_120 : vector<16xi32>
        %ge3A = vector.broadcast %mul3A_44 : i32 to vector<16xi32>
        %ge3A_122 = arith.cmpi sge, %get3A_117, %ge3A : vector<16xi32>
        %and3A = arith.andi %lt3A_121, %ge3A_122 : vector<16xi1>
        %add3A_123 = arith.constant 32768 : i32
        %add3A_124 = arith.addi %mul3A_44, %add3A_123 : i32
        %lt3A_125 = vector.broadcast %add3A_124 : i32 to vector<16xi32>
        %lt3A_126 = arith.cmpi slt, %get3A_117, %lt3A_125 : vector<16xi32>
        %and3A_127 = arith.andi %and3A, %lt3A_126 : vector<16xi1>
        %sub3A = vector.broadcast %mul3A_44 : i32 to vector<16xi32>
        %sub3A_128 = arith.subi %get3A_117, %sub3A : vector<16xi32>
        %jit3A = arith.constant 0 : i32
        %broadcast_in_dim3A = vector.broadcast %jit3A : i32 to vector<16xi32>
        %select_n3A = arith.select %and3A_127, %sub3A_128, %broadcast_in_dim3A : vector<16xi1>, vector<16xi32>
        %gather3A = tpu.vector_load_idx %arg8[%select_n3A] masked %and3A_127 : memref<32768xf32, #tpu.memory_space<vmem>>[vector<16xi32>], vector<16xf32>, vector<16xi1>
        %bitcast3A = vector.bitcast %gather3A : vector<16xf32> to vector<16xi32>
        %xor3A = arith.constant 2097152 : i32
        %xor3A_129 = vector.broadcast %xor3A : i32 to vector<16xi32>
        %xor3A_130 = arith.xori %bitcast3A, %xor3A_129 : vector<16xi32>
        %bitcast3A_131 = vector.bitcast %xor3A_130 : vector<16xi32> to vector<16xf32>
        %swap3A = arith.index_cast %mul3A_116 : i32 to index
        %swap3A_132 = tpu.vector_load %arg7[%swap3A] {strides = array<i32>} : memref<4112xf32, #tpu.memory_space<vmem>>, vector<16xf32>,
        tpu.vector_store %arg7[%swap3A], %bitcast3A_131 {strides = array<i32>} : memref<4112xf32, #tpu.memory_space<vmem>>, vector<16xf32>,
        %while3A_133 = arith.constant 0 : i32
        scf.yield %while3A_133 : i32
      }
      %while3A_54 = arith.constant 1 : i32
      %while3A_55 = scf.for %while3A_113 = %while3A_51 to %while3A_47 step %while3A_54 iter_args(%while3A_114 = %while3A_53) -> (i32)  : i32 {
        %mul3A_115 = arith.constant 16 : i32
        %mul3A_116 = arith.muli %while3A_113, %mul3A_115 : i32
        %get3A = arith.index_cast %mul3A_116 : i32 to index
        %get3A_117 = tpu.vector_load %arg6[%get3A] {strides = array<i32>} : memref<4112xi32, #tpu.memory_space<vmem>>, vector<16xi32>,
        %add3A_118 = vector.broadcast %mul3A_116 : i32 to vector<16xi32>
        %add3A_119 = arith.addi %add3A_118, %iota3A : vector<16xi32>
        %lt3A_120 = vector.broadcast %scan3A_14 : i32 to vector<16xi32>
        %lt3A_121 = arith.cmpi slt, %add3A_119, %lt3A_120 : vector<16xi32>
        %ge3A = vector.broadcast %mul3A_44 : i32 to vector<16xi32>
        %ge3A_122 = arith.cmpi sge, %get3A_117, %ge3A : vector<16xi32>
        %and3A = arith.andi %lt3A_121, %ge3A_122 : vector<16xi1>
        %add3A_123 = arith.constant 32768 : i32
        %add3A_124 = arith.addi %mul3A_44, %add3A_123 : i32
        %lt3A_125 = vector.broadcast %add3A_124 : i32 to vector<16xi32>
        %lt3A_126 = arith.cmpi slt, %get3A_117, %lt3A_125 : vector<16xi32>
        %and3A_127 = arith.andi %and3A, %lt3A_126 : vector<16xi1>
        %sub3A = vector.broadcast %mul3A_44 : i32 to vector<16xi32>
        %sub3A_128 = arith.subi %get3A_117, %sub3A : vector<16xi32>
        %jit3A = arith.constant 0 : i32
        %broadcast_in_dim3A = vector.broadcast %jit3A : i32 to vector<16xi32>
        %select_n3A = arith.select %and3A_127, %sub3A_128, %broadcast_in_dim3A : vector<16xi1>, vector<16xi32>
        %gather3A = tpu.vector_load_idx %arg8[%select_n3A] masked %and3A_127 : memref<32768xf32, #tpu.memory_space<vmem>>[vector<16xi32>], vector<16xf32>, vector<16xi1>
        %bitcast3A = vector.bitcast %gather3A : vector<16xf32> to vector<16xi32>
        %xor3A = arith.constant 2097152 : i32
        %xor3A_129 = vector.broadcast %xor3A : i32 to vector<16xi32>
        %xor3A_130 = arith.xori %bitcast3A, %xor3A_129 : vector<16xi32>
        %bitcast3A_131 = vector.bitcast %xor3A_130 : vector<16xi32> to vector<16xf32>
        %swap3A = arith.index_cast %mul3A_116 : i32 to index
        %swap3A_132 = tpu.vector_load %arg7[%swap3A] {strides = array<i32>} : memref<4112xf32, #tpu.memory_space<vmem>>, vector<16xf32>,
        tpu.vector_store %arg7[%swap3A], %bitcast3A_131 {strides = array<i32>} : memref<4112xf32, #tpu.memory_space<vmem>>, vector<16xf32>,
        %while3A_133 = arith.constant 0 : i32
        scf.yield %while3A_133 : i32
      }
      %while3A_56 = arith.constant 0 : i32
      %while3A_57 = arith.constant 0 : i32
      %while3A_58 = arith.subi %shift_right_arithmetic3A_18, %while3A_56 : i32
      %while3A_59 = arith.addi %while3A_56, %while3A_58 : i32
      %while3A_60 = arith.constant 1 : i32
      %while3A_61 = arith.divsi %while3A_58, %while3A_60 : i32
      %while3A_62 = arith.muli %while3A_61, %while3A_60 : i32
      %while3A_63 = arith.addi %while3A_56, %while3A_62 : i32
      %while3A_64 = arith.constant 1 : i32
      %while3A_65 = scf.for %while3A_113 = %while3A_56 to %while3A_63 step %while3A_64 iter_args(%while3A_114 = %while3A_57) -> (i32)  : i32 {
        %mul3A_115 = arith.constant 16 : i32
        %mul3A_116 = arith.muli %while3A_113, %mul3A_115 : i32
        %get3A = arith.index_cast %mul3A_116 : i32 to index
        %get3A_117 = tpu.vector_load %arg6[%get3A] {strides = array<i32>} : memref<4112xi32, #tpu.memory_space<vmem>>, vector<16xi32>,
        %add3A_118 = vector.broadcast %mul3A_116 : i32 to vector<16xi32>
        %add3A_119 = arith.addi %add3A_118, %iota3A : vector<16xi32>
        %lt3A_120 = vector.broadcast %scan3A_14 : i32 to vector<16xi32>
        %lt3A_121 = arith.cmpi slt, %add3A_119, %lt3A_120 : vector<16xi32>
        %ge3A = vector.broadcast %mul3A_44 : i32 to vector<16xi32>
        %ge3A_122 = arith.cmpi sge, %get3A_117, %ge3A : vector<16xi32>
        %and3A = arith.andi %lt3A_121, %ge3A_122 : vector<16xi1>
        %add3A_123 = arith.constant 32768 : i32
        %add3A_124 = arith.addi %mul3A_44, %add3A_123 : i32
        %lt3A_125 = vector.broadcast %add3A_124 : i32 to vector<16xi32>
        %lt3A_126 = arith.cmpi slt, %get3A_117, %lt3A_125 : vector<16xi32>
        %and3A_127 = arith.andi %and3A, %lt3A_126 : vector<16xi1>
        %sub3A = vector.broadcast %mul3A_44 : i32 to vector<16xi32>
        %sub3A_128 = arith.subi %get3A_117, %sub3A : vector<16xi32>
        %jit3A = arith.constant 0 : i32
        %broadcast_in_dim3A = vector.broadcast %jit3A : i32 to vector<16xi32>
        %select_n3A = arith.select %and3A_127, %sub3A_128, %broadcast_in_dim3A : vector<16xi1>, vector<16xi32>
        %get3A_129 = arith.index_cast %mul3A_116 : i32 to index
        %get3A_130 = tpu.vector_load %arg7[%get3A_129] {strides = array<i32>} : memref<4112xf32, #tpu.memory_space<vmem>>, vector<16xf32>,
        tpu.vector_store_idx %arg8[%select_n3A], %get3A_130 masked %and3A_127 : memref<32768xf32, #tpu.memory_space<vmem>>[vector<16xi32>], vector<16xf32>, vector<16xi1>
        %while3A_131 = arith.constant 0 : i32
        scf.yield %while3A_131 : i32
      }
      %while3A_66 = arith.constant 1 : i32
      %while3A_67 = scf.for %while3A_113 = %while3A_63 to %while3A_59 step %while3A_66 iter_args(%while3A_114 = %while3A_65) -> (i32)  : i32 {
        %mul3A_115 = arith.constant 16 : i32
        %mul3A_116 = arith.muli %while3A_113, %mul3A_115 : i32
        %get3A = arith.index_cast %mul3A_116 : i32 to index
        %get3A_117 = tpu.vector_load %arg6[%get3A] {strides = array<i32>} : memref<4112xi32, #tpu.memory_space<vmem>>, vector<16xi32>,
        %add3A_118 = vector.broadcast %mul3A_116 : i32 to vector<16xi32>
        %add3A_119 = arith.addi %add3A_118, %iota3A : vector<16xi32>
        %lt3A_120 = vector.broadcast %scan3A_14 : i32 to vector<16xi32>
        %lt3A_121 = arith.cmpi slt, %add3A_119, %lt3A_120 : vector<16xi32>
        %ge3A = vector.broadcast %mul3A_44 : i32 to vector<16xi32>
        %ge3A_122 = arith.cmpi sge, %get3A_117, %ge3A : vector<16xi32>
        %and3A = arith.andi %lt3A_121, %ge3A_122 : vector<16xi1>
        %add3A_123 = arith.constant 32768 : i32
        %add3A_124 = arith.addi %mul3A_44, %add3A_123 : i32
        %lt3A_125 = vector.broadcast %add3A_124 : i32 to vector<16xi32>
        %lt3A_126 = arith.cmpi slt, %get3A_117, %lt3A_125 : vector<16xi32>
        %and3A_127 = arith.andi %and3A, %lt3A_126 : vector<16xi1>
        %sub3A = vector.broadcast %mul3A_44 : i32 to vector<16xi32>
        %sub3A_128 = arith.subi %get3A_117, %sub3A : vector<16xi32>
        %jit3A = arith.constant 0 : i32
        %broadcast_in_dim3A = vector.broadcast %jit3A : i32 to vector<16xi32>
        %select_n3A = arith.select %and3A_127, %sub3A_128, %broadcast_in_dim3A : vector<16xi1>, vector<16xi32>
        %get3A_129 = arith.index_cast %mul3A_116 : i32 to index
        %get3A_130 = tpu.vector_load %arg7[%get3A_129] {strides = array<i32>} : memref<4112xf32, #tpu.memory_space<vmem>>, vector<16xf32>,
        tpu.vector_store_idx %arg8[%select_n3A], %get3A_130 masked %and3A_127 : memref<32768xf32, #tpu.memory_space<vmem>>[vector<16xi32>], vector<16xf32>, vector<16xi1>
        %while3A_131 = arith.constant 0 : i32
        scf.yield %while3A_131 : i32
      }
      %mul3A_68 = arith.constant 32768 : i32
      %mul3A_69 = arith.muli %add3A_38, %mul3A_68 : i32
      %add3A_70 = arith.addi %mul3A_2, %mul3A_69 : i32
      %dma_start3A_71 = tpu.memref_slice %arg4[%add3A_70] : memref<8388608xf32, #tpu.memory_space<hbm>> -> memref<32768xf32, #tpu.memory_space<hbm>>
      %dma_start3A_72 = tpu.memref_slice %arg4[%add3A_70] : memref<8388608xf32, #tpu.memory_space<hbm>> -> memref<32768xf32, #tpu.memory_space<hbm>>
      tpu.enqueue_dma source(%arg8 : memref<32768xf32, #tpu.memory_space<vmem>>) target(%dma_start3A_72 : memref<32768xf32, #tpu.memory_space<hbm>>) target_semaphore(%arg12 : memref<!tpu.dma_semaphore, #tpu.memory_space<semaphore_mem>>)
      %add3A_73 = arith.constant 1 : i32
      %add3A_74 = arith.addi %mul3A_36, %add3A_73 : i32
      %dma_wait3A_75 = arith.constant 0 : i32
      %dma_wait3A_76 = tpu.memref_slice %arg2[%dma_wait3A_75] : memref<8388608xf32, #tpu.memory_space<hbm>> -> memref<32768xf32, #tpu.memory_space<hbm>>
      %dma_wait3A_77 = arith.constant 0 : i32
      %dma_wait3A_78 = tpu.memref_slice %arg2[%dma_wait3A_77] : memref<8388608xf32, #tpu.memory_space<hbm>> -> memref<32768xf32, #tpu.memory_space<hbm>>
      tpu.wait_dma2 semaphore(%arg11 : memref<!tpu.dma_semaphore, #tpu.memory_space<semaphore_mem>>) src(%dma_wait3A_78 : memref<32768xf32, #tpu.memory_space<hbm>>) dst(%arg9 : memref<32768xf32, #tpu.memory_space<vmem>>)
      %mul3A_79 = arith.constant 32768 : i32
      %mul3A_80 = arith.muli %add3A_74, %mul3A_79 : i32
      %while3A_81 = arith.constant 0 : i32
      %while3A_82 = arith.constant 0 : i32
      %while3A_83 = arith.subi %shift_right_arithmetic3A_18, %while3A_81 : i32
      %while3A_84 = arith.addi %while3A_81, %while3A_83 : i32
      %while3A_85 = arith.constant 1 : i32
      %while3A_86 = arith.divsi %while3A_83, %while3A_85 : i32
      %while3A_87 = arith.muli %while3A_86, %while3A_85 : i32
      %while3A_88 = arith.addi %while3A_81, %while3A_87 : i32
      %while3A_89 = arith.constant 1 : i32
      %while3A_90 = scf.for %while3A_113 = %while3A_81 to %while3A_88 step %while3A_89 iter_args(%while3A_114 = %while3A_82) -> (i32)  : i32 {
        %mul3A_115 = arith.constant 16 : i32
        %mul3A_116 = arith.muli %while3A_113, %mul3A_115 : i32
        %get3A = arith.index_cast %mul3A_116 : i32 to index
        %get3A_117 = tpu.vector_load %arg6[%get3A] {strides = array<i32>} : memref<4112xi32, #tpu.memory_space<vmem>>, vector<16xi32>,
        %add3A_118 = vector.broadcast %mul3A_116 : i32 to vector<16xi32>
        %add3A_119 = arith.addi %add3A_118, %iota3A : vector<16xi32>
        %lt3A_120 = vector.broadcast %scan3A_14 : i32 to vector<16xi32>
        %lt3A_121 = arith.cmpi slt, %add3A_119, %lt3A_120 : vector<16xi32>
        %ge3A = vector.broadcast %mul3A_80 : i32 to vector<16xi32>
        %ge3A_122 = arith.cmpi sge, %get3A_117, %ge3A : vector<16xi32>
        %and3A = arith.andi %lt3A_121, %ge3A_122 : vector<16xi1>
        %add3A_123 = arith.constant 32768 : i32
        %add3A_124 = arith.addi %mul3A_80, %add3A_123 : i32
        %lt3A_125 = vector.broadcast %add3A_124 : i32 to vector<16xi32>
        %lt3A_126 = arith.cmpi slt, %get3A_117, %lt3A_125 : vector<16xi32>
        %and3A_127 = arith.andi %and3A, %lt3A_126 : vector<16xi1>
        %sub3A = vector.broadcast %mul3A_80 : i32 to vector<16xi32>
        %sub3A_128 = arith.subi %get3A_117, %sub3A : vector<16xi32>
        %jit3A = arith.constant 0 : i32
        %broadcast_in_dim3A = vector.broadcast %jit3A : i32 to vector<16xi32>
        %select_n3A = arith.select %and3A_127, %sub3A_128, %broadcast_in_dim3A : vector<16xi1>, vector<16xi32>
        %gather3A = tpu.vector_load_idx %arg9[%select_n3A] masked %and3A_127 : memref<32768xf32, #tpu.memory_space<vmem>>[vector<16xi32>], vector<16xf32>, vector<16xi1>
        %bitcast3A = vector.bitcast %gather3A : vector<16xf32> to vector<16xi32>
        %xor3A = arith.constant 2097152 : i32
        %xor3A_129 = vector.broadcast %xor3A : i32 to vector<16xi32>
        %xor3A_130 = arith.xori %bitcast3A, %xor3A_129 : vector<16xi32>
        %bitcast3A_131 = vector.bitcast %xor3A_130 : vector<16xi32> to vector<16xf32>
        %swap3A = arith.index_cast %mul3A_116 : i32 to index
        %swap3A_132 = tpu.vector_load %arg7[%swap3A] {strides = array<i32>} : memref<4112xf32, #tpu.memory_space<vmem>>, vector<16xf32>,
        tpu.vector_store %arg7[%swap3A], %bitcast3A_131 {strides = array<i32>} : memref<4112xf32, #tpu.memory_space<vmem>>, vector<16xf32>,
        %while3A_133 = arith.constant 0 : i32
        scf.yield %while3A_133 : i32
      }
      %while3A_91 = arith.constant 1 : i32
      %while3A_92 = scf.for %while3A_113 = %while3A_88 to %while3A_84 step %while3A_91 iter_args(%while3A_114 = %while3A_90) -> (i32)  : i32 {
        %mul3A_115 = arith.constant 16 : i32
        %mul3A_116 = arith.muli %while3A_113, %mul3A_115 : i32
        %get3A = arith.index_cast %mul3A_116 : i32 to index
        %get3A_117 = tpu.vector_load %arg6[%get3A] {strides = array<i32>} : memref<4112xi32, #tpu.memory_space<vmem>>, vector<16xi32>,
        %add3A_118 = vector.broadcast %mul3A_116 : i32 to vector<16xi32>
        %add3A_119 = arith.addi %add3A_118, %iota3A : vector<16xi32>
        %lt3A_120 = vector.broadcast %scan3A_14 : i32 to vector<16xi32>
        %lt3A_121 = arith.cmpi slt, %add3A_119, %lt3A_120 : vector<16xi32>
        %ge3A = vector.broadcast %mul3A_80 : i32 to vector<16xi32>
        %ge3A_122 = arith.cmpi sge, %get3A_117, %ge3A : vector<16xi32>
        %and3A = arith.andi %lt3A_121, %ge3A_122 : vector<16xi1>
        %add3A_123 = arith.constant 32768 : i32
        %add3A_124 = arith.addi %mul3A_80, %add3A_123 : i32
        %lt3A_125 = vector.broadcast %add3A_124 : i32 to vector<16xi32>
        %lt3A_126 = arith.cmpi slt, %get3A_117, %lt3A_125 : vector<16xi32>
        %and3A_127 = arith.andi %and3A, %lt3A_126 : vector<16xi1>
        %sub3A = vector.broadcast %mul3A_80 : i32 to vector<16xi32>
        %sub3A_128 = arith.subi %get3A_117, %sub3A : vector<16xi32>
        %jit3A = arith.constant 0 : i32
        %broadcast_in_dim3A = vector.broadcast %jit3A : i32 to vector<16xi32>
        %select_n3A = arith.select %and3A_127, %sub3A_128, %broadcast_in_dim3A : vector<16xi1>, vector<16xi32>
        %gather3A = tpu.vector_load_idx %arg9[%select_n3A] masked %and3A_127 : memref<32768xf32, #tpu.memory_space<vmem>>[vector<16xi32>], vector<16xf32>, vector<16xi1>
        %bitcast3A = vector.bitcast %gather3A : vector<16xf32> to vector<16xi32>
        %xor3A = arith.constant 2097152 : i32
        %xor3A_129 = vector.broadcast %xor3A : i32 to vector<16xi32>
        %xor3A_130 = arith.xori %bitcast3A, %xor3A_129 : vector<16xi32>
        %bitcast3A_131 = vector.bitcast %xor3A_130 : vector<16xi32> to vector<16xf32>
        %swap3A = arith.index_cast %mul3A_116 : i32 to index
        %swap3A_132 = tpu.vector_load %arg7[%swap3A] {strides = array<i32>} : memref<4112xf32, #tpu.memory_space<vmem>>, vector<16xf32>,
        tpu.vector_store %arg7[%swap3A], %bitcast3A_131 {strides = array<i32>} : memref<4112xf32, #tpu.memory_space<vmem>>, vector<16xf32>,
        %while3A_133 = arith.constant 0 : i32
        scf.yield %while3A_133 : i32
      }
      %while3A_93 = arith.constant 0 : i32
      %while3A_94 = arith.constant 0 : i32
      %while3A_95 = arith.subi %shift_right_arithmetic3A_18, %while3A_93 : i32
      %while3A_96 = arith.addi %while3A_93, %while3A_95 : i32
      %while3A_97 = arith.constant 1 : i32
      %while3A_98 = arith.divsi %while3A_95, %while3A_97 : i32
      %while3A_99 = arith.muli %while3A_98, %while3A_97 : i32
      %while3A_100 = arith.addi %while3A_93, %while3A_99 : i32
      %while3A_101 = arith.constant 1 : i32
      %while3A_102 = scf.for %while3A_113 = %while3A_93 to %while3A_100 step %while3A_101 iter_args(%while3A_114 = %while3A_94) -> (i32)  : i32 {
        %mul3A_115 = arith.constant 16 : i32
        %mul3A_116 = arith.muli %while3A_113, %mul3A_115 : i32
        %get3A = arith.index_cast %mul3A_116 : i32 to index
        %get3A_117 = tpu.vector_load %arg6[%get3A] {strides = array<i32>} : memref<4112xi32, #tpu.memory_space<vmem>>, vector<16xi32>,
        %add3A_118 = vector.broadcast %mul3A_116 : i32 to vector<16xi32>
        %add3A_119 = arith.addi %add3A_118, %iota3A : vector<16xi32>
        %lt3A_120 = vector.broadcast %scan3A_14 : i32 to vector<16xi32>
        %lt3A_121 = arith.cmpi slt, %add3A_119, %lt3A_120 : vector<16xi32>
        %ge3A = vector.broadcast %mul3A_80 : i32 to vector<16xi32>
        %ge3A_122 = arith.cmpi sge, %get3A_117, %ge3A : vector<16xi32>
        %and3A = arith.andi %lt3A_121, %ge3A_122 : vector<16xi1>
        %add3A_123 = arith.constant 32768 : i32
        %add3A_124 = arith.addi %mul3A_80, %add3A_123 : i32
        %lt3A_125 = vector.broadcast %add3A_124 : i32 to vector<16xi32>
        %lt3A_126 = arith.cmpi slt, %get3A_117, %lt3A_125 : vector<16xi32>
        %and3A_127 = arith.andi %and3A, %lt3A_126 : vector<16xi1>
        %sub3A = vector.broadcast %mul3A_80 : i32 to vector<16xi32>
        %sub3A_128 = arith.subi %get3A_117, %sub3A : vector<16xi32>
        %jit3A = arith.constant 0 : i32
        %broadcast_in_dim3A = vector.broadcast %jit3A : i32 to vector<16xi32>
        %select_n3A = arith.select %and3A_127, %sub3A_128, %broadcast_in_dim3A : vector<16xi1>, vector<16xi32>
        %get3A_129 = arith.index_cast %mul3A_116 : i32 to index
        %get3A_130 = tpu.vector_load %arg7[%get3A_129] {strides = array<i32>} : memref<4112xf32, #tpu.memory_space<vmem>>, vector<16xf32>,
        tpu.vector_store_idx %arg9[%select_n3A], %get3A_130 masked %and3A_127 : memref<32768xf32, #tpu.memory_space<vmem>>[vector<16xi32>], vector<16xf32>, vector<16xi1>
        %while3A_131 = arith.constant 0 : i32
        scf.yield %while3A_131 : i32
      }
      %while3A_103 = arith.constant 1 : i32
      %while3A_104 = scf.for %while3A_113 = %while3A_100 to %while3A_96 step %while3A_103 iter_args(%while3A_114 = %while3A_102) -> (i32)  : i32 {
        %mul3A_115 = arith.constant 16 : i32
        %mul3A_116 = arith.muli %while3A_113, %mul3A_115 : i32
        %get3A = arith.index_cast %mul3A_116 : i32 to index
        %get3A_117 = tpu.vector_load %arg6[%get3A] {strides = array<i32>} : memref<4112xi32, #tpu.memory_space<vmem>>, vector<16xi32>,
        %add3A_118 = vector.broadcast %mul3A_116 : i32 to vector<16xi32>
        %add3A_119 = arith.addi %add3A_118, %iota3A : vector<16xi32>
        %lt3A_120 = vector.broadcast %scan3A_14 : i32 to vector<16xi32>
        %lt3A_121 = arith.cmpi slt, %add3A_119, %lt3A_120 : vector<16xi32>
        %ge3A = vector.broadcast %mul3A_80 : i32 to vector<16xi32>
        %ge3A_122 = arith.cmpi sge, %get3A_117, %ge3A : vector<16xi32>
        %and3A = arith.andi %lt3A_121, %ge3A_122 : vector<16xi1>
        %add3A_123 = arith.constant 32768 : i32
        %add3A_124 = arith.addi %mul3A_80, %add3A_123 : i32
        %lt3A_125 = vector.broadcast %add3A_124 : i32 to vector<16xi32>
        %lt3A_126 = arith.cmpi slt, %get3A_117, %lt3A_125 : vector<16xi32>
        %and3A_127 = arith.andi %and3A, %lt3A_126 : vector<16xi1>
        %sub3A = vector.broadcast %mul3A_80 : i32 to vector<16xi32>
        %sub3A_128 = arith.subi %get3A_117, %sub3A : vector<16xi32>
        %jit3A = arith.constant 0 : i32
        %broadcast_in_dim3A = vector.broadcast %jit3A : i32 to vector<16xi32>
        %select_n3A = arith.select %and3A_127, %sub3A_128, %broadcast_in_dim3A : vector<16xi1>, vector<16xi32>
        %get3A_129 = arith.index_cast %mul3A_116 : i32 to index
        %get3A_130 = tpu.vector_load %arg7[%get3A_129] {strides = array<i32>} : memref<4112xf32, #tpu.memory_space<vmem>>, vector<16xf32>,
        tpu.vector_store_idx %arg9[%select_n3A], %get3A_130 masked %and3A_127 : memref<32768xf32, #tpu.memory_space<vmem>>[vector<16xi32>], vector<16xf32>, vector<16xi1>
        %while3A_131 = arith.constant 0 : i32
        scf.yield %while3A_131 : i32
      }
      %mul3A_105 = arith.constant 32768 : i32
      %mul3A_106 = arith.muli %add3A_74, %mul3A_105 : i32
      %add3A_107 = arith.addi %mul3A_2, %mul3A_106 : i32
      %dma_start3A_108 = tpu.memref_slice %arg4[%add3A_107] : memref<8388608xf32, #tpu.memory_space<hbm>> -> memref<32768xf32, #tpu.memory_space<hbm>>
      %dma_start3A_109 = tpu.memref_slice %arg4[%add3A_107] : memref<8388608xf32, #tpu.memory_space<hbm>> -> memref<32768xf32, #tpu.memory_space<hbm>>
      tpu.enqueue_dma source(%arg9 : memref<32768xf32, #tpu.memory_space<vmem>>) target(%dma_start3A_109 : memref<32768xf32, #tpu.memory_space<hbm>>) target_semaphore(%arg13 : memref<!tpu.dma_semaphore, #tpu.memory_space<semaphore_mem>>)
      %lt3A = arith.constant 3 : i32
      %lt3A_110 = arith.cmpi slt, %scan3A_33, %lt3A : i32
      %convert_element_type3A = arith.extui %lt3A_110 : i1 to i32
      %cond3A = arith.constant 0 : i32
      %cond3A_111 = arith.cmpi ne, %convert_element_type3A, %cond3A : i32
      scf.if %cond3A_111 {
        %add3A_113 = arith.constant 0 : i32
        %add3A_114 = arith.addi %mul3A_36, %add3A_113 : i32
        %dma_wait3A_115 = arith.constant 0 : i32
        %dma_wait3A_116 = tpu.memref_slice %arg4[%dma_wait3A_115] : memref<8388608xf32, #tpu.memory_space<hbm>> -> memref<32768xf32, #tpu.memory_space<hbm>>
        %dma_wait3A_117 = arith.constant 0 : i32
        %dma_wait3A_118 = tpu.memref_slice %arg4[%dma_wait3A_117] : memref<8388608xf32, #tpu.memory_space<hbm>> -> memref<32768xf32, #tpu.memory_space<hbm>>
        tpu.wait_dma2 semaphore(%arg12 : memref<!tpu.dma_semaphore, #tpu.memory_space<semaphore_mem>>) src(%arg8 : memref<32768xf32, #tpu.memory_space<vmem>>) dst(%dma_wait3A_118 : memref<32768xf32, #tpu.memory_space<hbm>>)
        %add3A_119 = arith.constant 2 : i32
        %add3A_120 = arith.addi %add3A_114, %add3A_119 : i32
        %mul3A_121 = arith.constant 32768 : i32
        %mul3A_122 = arith.muli %add3A_120, %mul3A_121 : i32
        %add3A_123 = arith.addi %mul3A_2, %mul3A_122 : i32
        %dma_start3A_124 = tpu.memref_slice %arg2[%add3A_123] : memref<8388608xf32, #tpu.memory_space<hbm>> -> memref<32768xf32, #tpu.memory_space<hbm>>
        %dma_start3A_125 = tpu.memref_slice %arg2[%add3A_123] : memref<8388608xf32, #tpu.memory_space<hbm>> -> memref<32768xf32, #tpu.memory_space<hbm>>
        tpu.enqueue_dma source(%dma_start3A_125 : memref<32768xf32, #tpu.memory_space<hbm>>) target(%arg8 : memref<32768xf32, #tpu.memory_space<vmem>>) target_semaphore(%arg10 : memref<!tpu.dma_semaphore, #tpu.memory_space<semaphore_mem>>)
        %add3A_126 = arith.constant 1 : i32
        %add3A_127 = arith.addi %mul3A_36, %add3A_126 : i32
        %dma_wait3A_128 = arith.constant 0 : i32
        %dma_wait3A_129 = tpu.memref_slice %arg4[%dma_wait3A_128] : memref<8388608xf32, #tpu.memory_space<hbm>> -> memref<32768xf32, #tpu.memory_space<hbm>>
        %dma_wait3A_130 = arith.constant 0 : i32
        %dma_wait3A_131 = tpu.memref_slice %arg4[%dma_wait3A_130] : memref<8388608xf32, #tpu.memory_space<hbm>> -> memref<32768xf32, #tpu.memory_space<hbm>>
        tpu.wait_dma2 semaphore(%arg13 : memref<!tpu.dma_semaphore, #tpu.memory_space<semaphore_mem>>) src(%arg9 : memref<32768xf32, #tpu.memory_space<vmem>>) dst(%dma_wait3A_131 : memref<32768xf32, #tpu.memory_space<hbm>>)
        %add3A_132 = arith.constant 2 : i32
        %add3A_133 = arith.addi %add3A_127, %add3A_132 : i32
        %mul3A_134 = arith.constant 32768 : i32
        %mul3A_135 = arith.muli %add3A_133, %mul3A_134 : i32
        %add3A_136 = arith.addi %mul3A_2, %mul3A_135 : i32
        %dma_start3A_137 = tpu.memref_slice %arg2[%add3A_136] : memref<8388608xf32, #tpu.memory_space<hbm>> -> memref<32768xf32, #tpu.memory_space<hbm>>
        %dma_start3A_138 = tpu.memref_slice %arg2[%add3A_136] : memref<8388608xf32, #tpu.memory_space<hbm>> -> memref<32768xf32, #tpu.memory_space<hbm>>
        tpu.enqueue_dma source(%dma_start3A_138 : memref<32768xf32, #tpu.memory_space<hbm>>) target(%arg9 : memref<32768xf32, #tpu.memory_space<vmem>>) target_semaphore(%arg11 : memref<!tpu.dma_semaphore, #tpu.memory_space<semaphore_mem>>)
      } else {
      }
      %scan3A_112 = arith.constant 0 : i32
      scf.yield %scan3A_112 : i32
    }
    %scan3A_25 = arith.constant 4 : i32
    %dma_wait3A = arith.constant 0 : i32
    %dma_wait3A_26 = tpu.memref_slice %arg4[%dma_wait3A] : memref<8388608xf32, #tpu.memory_space<hbm>> -> memref<32768xf32, #tpu.memory_space<hbm>>
    %dma_wait3A_27 = arith.constant 0 : i32
    %dma_wait3A_28 = tpu.memref_slice %arg4[%dma_wait3A_27] : memref<8388608xf32, #tpu.memory_space<hbm>> -> memref<32768xf32, #tpu.memory_space<hbm>>
    tpu.wait_dma2 semaphore(%arg12 : memref<!tpu.dma_semaphore, #tpu.memory_space<semaphore_mem>>) src(%arg8 : memref<32768xf32, #tpu.memory_space<vmem>>) dst(%dma_wait3A_28 : memref<32768xf32, #tpu.memory_space<hbm>>)
    %dma_wait3A_29 = arith.constant 0 : i32
    %dma_wait3A_30 = tpu.memref_slice %arg4[%dma_wait3A_29] : memref<8388608xf32, #tpu.memory_space<hbm>> -> memref<32768xf32, #tpu.memory_space<hbm>>
    %dma_wait3A_31 = arith.constant 0 : i32
    %dma_wait3A_32 = tpu.memref_slice %arg4[%dma_wait3A_31] : memref<8388608xf32, #tpu.memory_space<hbm>> -> memref<32768xf32, #tpu.memory_space<hbm>>
    tpu.wait_dma2 semaphore(%arg13 : memref<!tpu.dma_semaphore, #tpu.memory_space<semaphore_mem>>) src(%arg9 : memref<32768xf32, #tpu.memory_space<vmem>>) dst(%dma_wait3A_32 : memref<32768xf32, #tpu.memory_space<hbm>>)
    return
  }
}

module attributes {stable_mosaic.version = 14 : i64} {
  func.func @_mm_body(%arg0: i32, %arg1: memref<1024x1024xf32, #tpu.memory_space<vmem>>, %arg2: memref<1024x1024xf32, #tpu.memory_space<vmem>>, %arg3: memref<1x1024xf32, #tpu.memory_space<vmem>>, %arg4: memref<1024x1024xf32, #tpu.memory_space<vmem>>) attributes {dimension_semantics = [#tpu.dimension_semantics<parallel>], iteration_bounds = array<i64: 8>, scalar_prefetch = 0 : i64, scratch_operands = 0 : i64, tpu.core_type = #tpu.core_type<tc>, window_params = [{transform_indices = @transform_0, window_bounds = array<i64: 1024, 1024>}, {pipeline_mode = #tpu.pipeline_mode<synchronous>, transform_indices = @transform_1, window_bounds = array<i64: 1024, 1024>}, {pipeline_mode = #tpu.pipeline_mode<synchronous>, transform_indices = @transform_2, window_bounds = array<i64: 1, 1024>}, {transform_indices = @transform_3, window_bounds = array<i64: 1024, 1024>}]} {
    %get3A = arith.constant 0 : index
    %get3A_0 = arith.constant 0 : index
    %get3A_1 = vector.load %arg1[%get3A, %get3A_0] : memref<1024x1024xf32, #tpu.memory_space<vmem>>, vector<1024x1024xf32>
    %convert_element_type3A = arith.truncf %get3A_1 : vector<1024x1024xf32> to vector<1024x1024xbf16>
    %get3A_2 = arith.constant 0 : index
    %get3A_3 = arith.constant 0 : index
    %get3A_4 = vector.load %arg2[%get3A_2, %get3A_3] : memref<1024x1024xf32, #tpu.memory_space<vmem>>, vector<1024x1024xf32>
    %convert_element_type3A_5 = arith.truncf %get3A_4 : vector<1024x1024xf32> to vector<1024x1024xbf16>
    %dot_general3A = arith.constant dense<0.000000e+00> : vector<1024x1024xf32>
    %dot_general3A_6 = tpu.matmul %convert_element_type3A, %convert_element_type3A_5, %dot_general3A {dimension_numbers = #tpu.dot_dimension_numbers<[1], [0], [0], [1], [0, 0, 1, 1], [], []>, transpose_lhs_hint = false} : vector<1024x1024xbf16>, vector<1024x1024xbf16>, vector<1024x1024xf32> -> vector<1024x1024xf32>
    %get3A_7 = arith.constant 0 : index
    %get3A_8 = arith.constant 0 : index
    %get3A_9 = vector.load %arg3[%get3A_7, %get3A_8] : memref<1x1024xf32, #tpu.memory_space<vmem>>, vector<1x1024xf32>
    %add3A = vector.broadcast %get3A_9 : vector<1x1024xf32> to vector<1024x1024xf32>
    %add3A_10 = arith.addf %dot_general3A_6, %add3A : vector<1024x1024xf32>
    %swap3A = arith.constant 0 : index
    %swap3A_11 = arith.constant 0 : index
    %swap3A_12 = vector.load %arg4[%swap3A, %swap3A_11] : memref<1024x1024xf32, #tpu.memory_space<vmem>>, vector<1024x1024xf32>
    tpu.vector_store %arg4[%swap3A, %swap3A_11], %add3A_10 {strides = array<i32>} : memref<1024x1024xf32, #tpu.memory_space<vmem>>, vector<1024x1024xf32>,
    return
  }
  func.func @transform_0(%arg0: i32) -> (i32, i32) {
    %c0_i32 = arith.constant 0 : i32
    %c0_i32_0 = arith.constant 0 : i32
    return %arg0, %c0_i32 : i32, i32
  }
  func.func @transform_1(%arg0: i32) -> (i32, i32) {
    %c0_i32 = arith.constant 0 : i32
    %c0_i32_0 = arith.constant 0 : i32
    %c0_i32_1 = arith.constant 0 : i32
    return %c0_i32, %c0_i32_0 : i32, i32
  }
  func.func @transform_2(%arg0: i32) -> (i32, i32) {
    %c0_i32 = arith.constant 0 : i32
    %c0_i32_0 = arith.constant 0 : i32
    %c0_i32_1 = arith.constant 0 : i32
    return %c0_i32, %c0_i32_0 : i32, i32
  }
  func.func @transform_3(%arg0: i32) -> (i32, i32) {
    %c0_i32 = arith.constant 0 : i32
    %c0_i32_0 = arith.constant 0 : i32
    return %arg0, %c0_i32 : i32, i32
  }
}

</mosaic_0001>

<sc_bundles>
// kernel: kernel.4.cloned.1.call-start
scs
__scs_entry_jumppad:
0x0: {  	(pc) =	sbr.rel $0x88, $3  }
0x1: {  	(tag) =	ssettag $0x0;
	lr =	simm.s32 $0x1  }
0x2: {  	[smem:$0x3F9D] =	sst lr;
	_ =	strace $0xD0000000  }
0x3: {  	_ = 	snop  }
0x4: {  	_ = 	snop  }
0x5: {  	_ = 	snop  }
0x6: {  	_ = 	snop  }
0x7: {  	_ = 	snop  }
__scs_overlays_trampoline_lowered:
0x8: {  	[smem:$0x3FAC] =	sst s0  }
0x9: {  	[smem:$0x3FAD] =	sst s1  }
0xa: {  	[smem:$0x3FAE] =	sst s2  }
0xb: {  	[smem:$0x3FAF] =	sst s3  }
0xc: {  	[smem:$0x3FB0] =	sst s4  }
0xd: {  	[smem:$0x3FB1] =	sst s5  }
0xe: {  	[smem:$0x3FB2] =	sst s6  }
0xf: {  	[smem:$0x3FB3] =	sst s7  }
0x10: {  	[smem:$0x3FB4] =	sst s8  }
0x11: {  	[smem:$0x3FB5] =	sst s9;
	s0 =	simm.s32 @!p0 $0x0  }
0x12: {  	s1 =	sld [smem:$0x3F9B];
	s0 =	simm.s32 @p0 $0x1  }
0x13: {  	[smem:$0x3FB6] =	sst s0;
	s0 =	simm.s32 @!p1 $0x0  }
0x14: {  	s2 =	sld [smem:$0x3F9A];
	s0 =	simm.s32 @p1 $0x1  }
0x15: {  	[smem:$0x3FB7] =	sst s0;
	s0 =	simm.s32 @!p2 $0x0  }
0x16: {  	s3 =	sld [smem:$0x3FDB];
	s0 =	simm.s32 @p2 $0x1  }
0x17: {  	s4 =	simm.s32 $0x1BF5;
	[smem:$0x3FB9] =	sst s0  }
0x18: {  	s0 =	sld [smem:$0x3F9C];
	_ =	swait.ge [sflag:s4], $0x0  }
0x19: {  	s7 =	sld [smem:$0x3F9D]  }
0x1a: {  	s8 =	sadd.s32 $0xFFFFE003, lr  }
0x1b: {  	s9 =	sadd.s32 $0xFFFFFEF7, lr;
	s5 =	simm.s32 $0xFFFFFFFF;
	p2 =	slt.u32 s8, $0xFFFFF086  }
0x1c: {  	p1 =	slt.u32 s9, $0xF7A;
	s5 =	simm.s32 @!p2 $0x0  }
0x1d: {  	s5 =	simm.s32 @p1 $0x1;
	p0 =	seq.s32 s7, s2  }
0x1e: {  	s7 =	smul.u32 @!p0 $0xF7A, s2;
	p2 =	seq.s32 @!p0 s5, $0x0  }
0x1f: {  	s9 =	smul.u32 $0xF7A, s1;
	s8 =	simm.s32 @!p0 $0x1BF5;
	p2 =	por !p2, p0  }
0x20: {  	[sflag:s8] =	ssyncset.s32 @!p0 $0xFFFFF086;
	s6 =	sadd.s32 @!p0 s3, s7;
	s7 =	simm.s32 @!p0 $0x108  }
0x21: {  	s3 =	sadd.s32 s3, s9;
	s6 =	sadd.s32 @!p0 $0x88, s6;
	s7 =	simm.s32 @p2 $0x1082  }
0x22: {  	[simem:s7], [sflag:s8] =	dma.local @!p0 [hbm:s6], $0xF7A  }
0x23: {  	s9 =	sor.u32 $0xD0000000, s2;
	s6 =	simm.s32 $0x108;
	_ =	swait.ge @!p0 [sflag:s8], $0x0  }
0x24: {  	s3 =	sadd.s32 $0x88, s3;
	s6 =	simm.s32 @!p1 $0x1082;
	[sflag:s4] =	ssyncset.s32 $0xFFFFF086  }
0x25: {  	[simem:s6], [sflag:s4] =	dma.local [hbm:s3], $0xF7A  }
0x26: {  	[smem:$0x3F9D] =	sst s1;
	(tag) =	ssettag s2;
	_ =	strace s9  }
0x27: {  	s1 =	sld [smem:$0x3FAD]  }
0x28: {  	s2 =	sld [smem:$0x3FAE]  }
0x29: {  	s4 =	sld [smem:$0x3FB0]  }
0x2a: {  	p0 =	seq.s32 s5, $0x0;
	s5 =	sld [smem:$0x3FB1]  }
0x2b: {  	s6 =	sld [smem:$0x3FB2]  }
0x2c: {  	s7 =	sld [smem:$0x3FB3]  }
0x2d: {  	s3 =	simm.s32 $0x108;
	s8 =	sld [smem:$0x3FB4]  }
0x2e: {  	s3 =	simm.s32 @!p0 $0x1082;
	s9 =	sld [smem:$0x3FB5]  }
0x2f: {  	lr =	sadd.s32 s0, s3;
	s0 =	sld [smem:$0x3FAC]  }
0x30: {  	s3 =	sld [smem:$0x3FAF]  }
0x31: {  	[smem:$0x3FB8] =	sst s10  }
0x32: {  	s10 =	sld [smem:$0x3FB6];
	_ =	sdelay $0x3  }
0x33: {  	p0 =	seq.s32 s10, $0x1;
	s10 =	sld [smem:$0x3FB8];
	_ =	sdelay $0x3  }
0x34: {  	[smem:$0x3FB8] =	sst s10  }
0x35: {  	s10 =	sld [smem:$0x3FB7];
	_ =	sdelay $0x3  }
0x36: {  	p1 =	seq.s32 s10, $0x1;
	s10 =	sld [smem:$0x3FB8];
	_ =	sdelay $0x3  }
0x37: {  	[smem:$0x3FB8] =	sst s10  }
0x38: {  	s10 =	sld [smem:$0x3FB9]  }
0x39: {  	_ = 	snop;
	(pc) =	sbr.ind lr, $3  }
0x3a: {  	_ = 	snop  }
0x3b: {  	_ = 	snop  }
0x3c: {  	p2 =	seq.s32 s10, $0x1;
	s10 =	sld [smem:$0x3FB8]  }
0x3d: {  	_ =	shalt  }
0x3e: {  	_ =	shalt  }
0x3f: {  	_ =	shalt  }
0x40: {  	_ =	shalt  }
0x41: {  	_ =	shalt  }
0x42: {  	_ =	shalt  }
0x43: {  	_ =	shalt  }
0x44: {  	_ =	shalt  }
0x45: {  	_ =	shalt  }
0x46: {  	_ =	shalt  }
0x47: {  	_ =	shalt  }
0x48: {  	_ =	shalt  }
0x49: {  	_ =	shalt  }
0x4a: {  	_ =	shalt  }
0x4b: {  	_ =	shalt  }
0x4c: {  	_ =	shalt  }
0x4d: {  	_ =	shalt  }
0x4e: {  	_ =	shalt  }
0x4f: {  	_ =	shalt  }
0x50: {  	_ =	shalt  }
0x51: {  	_ =	shalt  }
0x52: {  	_ =	shalt  }
0x53: {  	_ =	shalt  }
0x54: {  	_ =	shalt  }
0x55: {  	_ =	shalt  }
0x56: {  	_ =	shalt  }
0x57: {  	_ =	shalt  }
0x58: {  	_ =	shalt  }
0x59: {  	_ =	shalt  }
0x5a: {  	_ =	shalt  }
0x5b: {  	_ =	shalt  }
0x5c: {  	_ =	shalt  }
0x5d: {  	_ =	shalt  }
0x5e: {  	_ =	shalt  }
0x5f: {  	_ =	shalt  }
0x60: {  	_ =	shalt  }
0x61: {  	_ =	shalt  }
0x62: {  	_ =	shalt  }
0x63: {  	_ =	shalt  }
0x64: {  	_ =	shalt  }
0x65: {  	_ =	shalt  }
0x66: {  	_ =	shalt  }
0x67: {  	_ =	shalt  }
0x68: {  	_ =	shalt  }
0x69: {  	_ =	shalt  }
0x6a: {  	_ =	shalt  }
0x6b: {  	_ =	shalt  }
0x6c: {  	_ =	shalt  }
0x6d: {  	_ =	shalt  }
0x6e: {  	_ =	shalt  }
0x6f: {  	_ =	shalt  }
0x70: {  	_ =	shalt  }
0x71: {  	_ =	shalt  }
0x72: {  	_ =	shalt  }
0x73: {  	_ =	shalt  }
0x74: {  	_ =	shalt  }
0x75: {  	_ =	shalt  }
0x76: {  	_ =	shalt  }
0x77: {  	_ =	shalt  }
0x78: {  	_ =	shalt  }
0x79: {  	_ =	shalt  }
0x7a: {  	_ =	shalt  }
0x7b: {  	_ =	shalt  }
0x7c: {  	_ =	shalt  }
0x7d: {  	_ =	shalt  }
0x7e: {  	_ =	shalt  }
0x7f: {  	_ =	shalt  }
0x80: {  	_ =	shalt  }
0x81: {  	_ =	shalt  }
0x82: {  	_ =	shalt  }
0x83: {  	_ =	shalt  }
0x84: {  	_ =	shalt  }
0x85: {  	_ =	shalt  }
0x86: {  	_ =	shalt  }
0x87: {  	_ =	shalt  }
.Lfunc_end0:
.L_simem_size_0:
called_computation_lowered:
.L_overlay_start_0:
0x88: {  	s2 =	sld [smem:$0x3FD9]  }
0x89: {  	s3 =	sld [smem:$0x3FFE];
	_ =	sdelay $0x1  }
0x8a: {  	s1 =	srdreg.scid  }
0x8b: {  	s0 =	sand.u32 $0x1, s1  }
0x8c: {  	s17 =	sshll.u32 s0, $0xA;
	s2 =	sadd.s32 s3, s2  }
0x8d: {  	s2 =	sadd.s32 s2, s17  }
0x8e: {  	[smem:$0x3FC4] =	sst s2  }
0x8f: {  	_ = 	snop  }
0x90: {  	s2 =	sld [smem:$0x3FC9]  }
0x91: {  	s18 =	sld [smem:$0x3FC8];
	(tm) =	ssettm $0x1  }
0x92: {  	s4 =	sld [smem:$0x3FFB];
	_ =	sdelay $0x3  }
0x93: {  	_ =	strace s4  }
0x94: {  	s4 =	sld [smem:$0x3FFC];
	_ =	sdelay $0x3  }
0x95: {  	_ =	strace s4  }
0x96: {  	s4 =	sld [smem:$0x3FFD];
	_ =	sdelay $0x3  }
0x97: {  	_ =	strace s4  }
0x98: {  	_ =	strace $0x8FFFFFFF  }
0x99: {  	s19 =	sld [smem:$0x3FDB];
	_ =	sdelay $0x1  }
0x9a: {  	s5 =	simm.s32 $_scs_section_size  }
0x9b: {  	s6 =	simm.s32 $_size__tile_overlayer_lowered;
	s7 =	simm.s32 $_tile_overlayer_lowered  }
0x9c: {  	s22 =	simm.s32 $0x1BFF;
	s21 =	sshll.u32 s7, $0x1;
	s4 =	sadd.s32 s5, s19  }
0x9d: {  	s8 =	simm.s32 $0x0;
	s20 =	sshll.u32 s6, $0x1;
	s6 =	sadd.s32 s21, s4  }
0x9e: {  	[timem:s8], [sflag:s22] =	dma.local [hbm:s6], s20  }
0x9f: {  	_ =	swait.ge [sflag:s22], s20  }
0xa0: {  	s5 =	ssub.s32 $0x0, s20;
	[sflag:s22] =	ssyncset.done $0x0  }
0xa1: {  	[sflag:s22] =	ssyncadd.s32 s5;
	_ =	sdelay $0x1  }
0xa2: {  	s23 =	simm.s32 $0x1B8B  }
0xa3: {  	_ =	swait.ge [sflag:s23], $0x1  }
0xa4: {  	[sflag:s23] =	ssyncset.done $0x0  }
0xa5: {  	s25 =	simm.s32 $0x1B8E;
	s24 =	sld [smem:$0x3FFE];
	[sflag:s23] =	ssyncadd.s32 $0xFFFFFFFF  }
0xa6: {  	s26 =	simm.s32 $execute0_lowered;
	[smem:$0x3FD2] =	sst s25  }
0xa7: {  	s6 =	sshll.u32 s26, $0x1;
	_ =	strace $0x80000046;
	[dreg:$0x1] =	wrdreg $0xFFFFFFFF  }
0xa8: {  	s28 =	simm.s32 $_size_execute0_lowered;
	s4 =	sadd.s32 s4, s6;
	[dreg:$0x0] =	wrdreg $0x0  }
0xa9: {  	s6 =	sshll.u32 s28, $0x1;
	[dreg:$0x2] =	wrdreg s4  }
0xaa: {  	[dreg:$0x3] =	wrdreg s6  }
0xab: {  	[dreg:$0x4] =	wrdreg $0xC0  }
0xac: {  	_ =	task [dreg:s8], $0x5FFFF  }
0xad: {  	[dreg:$0x1] =	wrdreg $0xFFFFFFFF  }
0xae: {  	[dreg:$0x0] =	wrdreg $0x60  }
0xaf: {  	[dreg:$0x2] =	wrdreg s2  }
0xb0: {  	[dreg:$0x3] =	wrdreg s18  }
0xb1: {  	[dreg:$0x4] =	wrdreg s24  }
0xb2: {  	[dreg:$0x5] =	wrdreg $0x9  }
0xb3: {  	_ =	task.clear_ibuf [dreg:s8], $0x6FFFF;
	_ =	strace $0x90000046  }
0xb4: {  	s29 =	simm.s32 $0x9;
	_ =	strace $0x80000048  }
0xb5: {  	_ =	swait.ge [sflag:s29], $0x1  }
0xb6: {  	[sflag:s29] =	ssyncadd.s32 $0xFFFFFFFF  }
0xb7: {  	_ =	strace $0x90000048  }
0xb8: {  	_ =	sfence  }
0xb9: {  	s30 =	sld [smem:$0x0];
	_ =	sdelay $0x2  }
0xba: {  	s31 =	sshll.u32 s1, $0xD;
	s1 =	sshrl.u32 s1, $0x2  }
0xbb: {  	s3 =	sand.u32 $0x4000, s31;
	s1 =	sadd.s32 s1, s30  }
0xbc: {  	s0 =	sor.u32 s3, s0;
	s1 =	sshll.u32 s1, $0x11  }
0xbd: {  	s0 =	sor.u32 s1, s0  }
0xbe: {  	s0 =	sadd.s32 $0x8F2B, s0  }
0xbf: {  	[sflag:s0] =	ssyncadd.remote.s32 $0x1  }
0xc0: {  	_ =	sfence.sel $0xFFFF  }
0xc1: {  	[dreg:$0x0] =	wrdreg $0xFFFFFFFF;
	(pc) =	sbr.abs _section_cstart, $3  }
0xc2: {  	[dreg:$0x1] =	wrdreg $0xFFFFFFFF  }
0xc3: {  	_ =	task.clear_ibuf [dreg:s8], $0x2FFFF;
	_ =	strace $0x9FFFFFFF  }
0xc4: {  	(tm) =	ssettm $0x7FFFFFFF  }
0xc5: {  	_ =	shalt  }
tec
execute0_lowered:
.L_overlay_start_1:
0x0: {  	(tag) =	ssettag $0x1  }
0x1: {  	s1 =	rddreg [dreg:$0x0]  }
0x2: {  	s2 =	srdreg.scid;
	s3 =	rddreg [dreg:$0x1]  }
0x3: {  	s0 =	stileid.u32;
	s7 =	rddreg [dreg:$0x2]  }
0x4: {  	s4 =	simm.s32 $0x0;
	s12 =	simm.s32 $0x3100;
	s13 =	simm.s32 $0xB100  }
0x5: {  	s14 =	simm.s32 $0x5;
	s15 =	simm.s32 $0x1;
	s16 =	simm.s32 $0x2  }
0x6: {  	s18 =	simm.s32 $0x4;
	s19 =	simm.s32 $0x0;
	s2 =	sand.u32 $0x1, s2  }
0x7: {  	s5 =	sshll.u32 s0, $0x13;
	[smem:$0x7FF] =	sst s4;
	s7 =	sadd.s32 $0x800, s7  }
.Ltmp0:
0x8: {  	s6 =	sshll.u32 s2, $0x12;
	s2 =	ssub.s32 $0x2, s2;
	(pc) =	sbr.rel .LBB2_1-.Ltmp0, $4  }
0x9: {  	_ =	strace $0x80000047;
	s5 =	sor.u32 s6, s5;
	s8 =	sshrl.u32 s2, $0x1  }
0xa: {  	s6 =	sshrl.u32 s5, $0x3;
	s2 =	ssub.s32 s2, s8;
	s17 =	sadd.s32 $0x40000, s5  }
0xb: {  	s9 =	sor.u32 $0x10000, s5;
	s10 =	sor.u32 $0x18000, s5;
	s6 =	sadd.s32 s1, s6  }
0xc: {  	v2 =	vlaneseq.u32;
	v0 =	vmov s5;
	s11 =	smax.u32 s2, $0x1;
	v1 =	vmov s17;
	s17 =	simm.s32 $0x3;
	s8 =	sadd.s32 $0x1000, s6  }
.LBB2_30:
0xd: {  	s19 =	sadd.s32 $0x1, s19  }
0xe: {  	p0 =	sne.s32 s19, s11  }
.Ltmp1:
0xf: {  	_ = 	snop;
	(pc) =	sbr.rel @!p0 .LBB2_31-.Ltmp1, $4  }
0x10: {  	_ = 	snop  }
0x11: {  	_ =	swait.ge [sflag:s18], $0x8000  }
0x12: {  	[sflag:s18] =	ssyncset.done $0x0  }
0x13: {  	[sflag:s18] =	ssyncadd.s32 $0xFFFF8000  }
.LBB2_1:
0x14: {  	[tilespmem:s12], [sflag:$0x1] =	stream.linear.gather [hbm4b:s6+s4], $0x8000, $0x38;
	[tilespmem:$0x13100] =	vst v63  }
0x15: {  	_ = 	snop  }
0x16: {  	[tilespmem:s13], [sflag:$0x2] =	stream.linear.gather [hbm4b:s8+s4], $0x8000, $0x38;
	[tilespmem:$0x13100] =	vst v63  }
0x17: {  	_ = 	snop  }
0x18: {  	[tilespmem:s4], [sflag:$0x5] =	stream.linear.gather [hbm4b:s3+s4], $0x1000, $0x38;
	[tilespmem:$0x13100] =	vst v63  }
0x19: {  	_ =	swait.ge [sflag:s14], $0x1000  }
0x1a: {  	[sflag:s14] =	ssyncset.done $0x0  }
0x1b: {  	s2 =	simm.s32 $0x0;
	[sflag:s14] =	ssyncadd.s32 $0xFFFFF000  }
0x1c: {  	v3 =	vld [tilespmem:s2+$0x0];
	_ =	sdelay $0x4  }
0x1d: {  	v4 =	vshrl.u32 v3, $0x3  }
0x1e: {  	v5 =	vand.u32 $0xFFFFE07F, v3;
	v3 =	vshll.u32 v3, $0x3;
	v4 =	vand.u32 $0x380, v4  }
0x1f: {  	v3 =	vand.u32 $0x1C00, v3;
	v4 =	vor.u32 v5, v4  }
0x20: {  	v3 =	vor.u32 v3, v4  }
0x21: {  	vm0 =	vge.s32 v3, v0;
	vm1 =	vlt.s32 v3, v1  }
0x22: {  	vm0 =	vmand vm0, vm1  }
0x23: {  	v63 =	vmpcnt.ones.xlane vm0;
	_ =	sdelay $0x1  }
0x24: {  	v4 =	vxor.u32 $0x80000000, v63  }
0x25: {  	(xrf0) =	vmax.scan.msk.u32 $0xffff, v4;
	_ =	sdelay $0x3  }
0x26: {  	v3 =	vsub.s32 v3, v0  }
0x27: {  	s21 =	simm.s32 $0x80;
	s20 =	simm.s32 $0x0;
	s2 =	simm.s32 $0x10;
	[tilespmem:s4+$0x1000] =	vst.msk vm0, v3  }
.LBB2_2:
0x28: {  	p0 =	sne.s32 s21, $0x3FC0;
	v3 =	vld [tilespmem:s2+$0x0];
	v4, _, _ =	vpop (xrf0)  }
0x29: {  	(v2sf) =	vpush v4, $0xF;
	_ =	sdelay $0x3  }
0x2a: {  	v4 =	vshrl.u32 v3, $0x3  }
0x2b: {  	v5 =	vand.u32 $0xFFFFE07F, v3;
	v3 =	vshll.u32 v3, $0x3;
	v4 =	vand.u32 $0x380, v4  }
0x2c: {  	v3 =	vand.u32 $0x1C00, v3;
	v4 =	vor.u32 v5, v4  }
0x2d: {  	v3 =	vor.u32 v3, v4  }
0x2e: {  	vm0 =	vge.s32 v3, v0;
	vm1 =	vlt.s32 v3, v1;
	v3 =	vsub.s32 v3, v0  }
0x2f: {  	vm0 =	vmand vm0, vm1  }
0x30: {  	v4 =	vmpcnt.ones.xlane vm0;
	_ =	sdelay $0x1  }
0x31: {  	v4 =	vxor.u32 $0x80000000, v4  }
0x32: {  	(xrf0) =	vmax.scan.msk.u32 $0xffff, v4  }
.Ltmp2:
0x33: {  	(pc) =	sbr.rel @p0 .LBB2_2-.Ltmp2, $4  }
0x34: {  	s2 =	spop (v2sf)  }
0x35: {  	s2 =	sadd.s32 s2, s20  }
0x36: {  	s20 =	sadd.s32 $0x80000000, s2  }
0x37: {  	s2 =	sshra.s32 s21, $0x2;
	s21 =	sadd.s32 $0x40, s21;
	[tilespmem:s20+$0x1000] =	vst.msk vm0, v3  }
0x38: {  	v3 =	vld [tilespmem:s2+$0x0];
	_ =	sdelay $0x4  }
0x39: {  	v4 =	vshrl.u32 v3, $0x3  }
0x3a: {  	v5 =	vand.u32 $0xFFFFE07F, v3;
	v3 =	vshll.u32 v3, $0x3;
	v4 =	vand.u32 $0x380, v4  }
0x3b: {  	v3 =	vand.u32 $0x1C00, v3;
	v4 =	vor.u32 v5, v4  }
0x3c: {  	v3 =	vor.u32 v3, v4  }
0x3d: {  	vm0 =	vge.s32 v3, v0;
	vm1 =	vlt.s32 v3, v1  }
0x3e: {  	vm0 =	vmand vm0, vm1  }
0x3f: {  	v4 =	vmpcnt.ones.xlane vm0;
	_ =	sdelay $0x1  }
0x40: {  	v4 =	vxor.u32 $0x80000000, v4  }
0x41: {  	(xrf0) =	vmax.scan.msk.u32 $0xffff, v4;
	_ =	sdelay $0x3  }
0x42: {  	v4, _, _ =	vpop (xrf0)  }
0x43: {  	(v2sf) =	vpush v4, $0xF  }
0x44: {  	v4, _, _ =	vpop (xrf0)  }
0x45: {  	(v2sf) =	vpush v4, $0xF;
	_ =	sdelay $0xc  }
0x46: {  	s30 =	spop (v2sf)  }
0x47: {  	s2 =	sadd.s32 s30, s20  }
0x48: {  	s2 =	sadd.s32 $0x80000000, s2;
	s31 =	spop (v2sf)  }
0x49: {  	s20 =	sadd.s32 s31, s2  }
0x4a: {  	s21 =	sadd.s32 $0x80000000, s20  }
0x4b: {  	s20 =	sadd.s32 $0xF, s21  }
0x4c: {  	v3 =	vsub.s32 v3, v0;
	s20 =	sshra.s32 s20, $0x4  }
0x4d: {  	[tilespmem:s2+$0x1000] =	vst.msk vm0, v3;
	v3 =	vmov s21;
	s21 =	simm.s32 $0x0;
	p0 =	slt.s32 s20, $0x1  }
.LBB2_4:
.Ltmp3:
0x4e: {  	(pc) =	sbr.rel @p0 .LBB2_16-.Ltmp3, $4  }
0x4f: {  	_ = 	snop  }
0x50: {  	_ =	swait.ge [sflag:s15], $0x8000  }
0x51: {  	s22 =	sshll.u32 s21, $0x10;
	[sflag:s15] =	ssyncset.done $0x0  }
0x52: {  	s23 =	sor.u32 $0x8000, s22;
	[sflag:s15] =	ssyncadd.s32 $0xFFFF8000  }
0x53: {  	p2 =	sne.s32 s20, $0x1  }
.Ltmp4:
0x54: {  	_ = 	snop;
	(pc) =	sbr.rel @!p2 .LBB2_6-.Ltmp4, $3  }
0x55: {  	_ =	sdelay $0x1  }
0x56: {  	s23 =	sor.u32 $0x8000, s22;
	s28 =	simm.s32 $0x1000;
	s25 =	simm.s32 $0x0  }
0x57: {  	v4 =	vmov s22;
	s24 =	simm.s32 $0x2080;
	s26 =	sadd.s32 $0xFFFFFFFF, s20;
	p1 =	por $0x0, $0x0;
	v5 =	vmov s23;
	v7 =	vld [tilespmem:s28+$0x0];
	v6 =	vor.u32 s25, v2  }
0x58: {  	_ =	sdelay $0x3  }
0x59: {  	vm0 =	vlt.s32 v6, v3;
	vm1 =	vlt.s32 v7, v5  }
0x5a: {  	vm2 =	vge.s32 v7, v4;
	vm0 =	vmand vm0, vm1  }
0x5b: {  	v7 =	vsub.s32 v7, v4;
	vm0 =	vmand vm0, vm2  }
0x5c: {  	v7 =	vnsel vm0, $0x0, v7;
	_ =	sdelay $0x4  }
0x5d: {  	v7 =	vld.idx.msk [tilespmem:v7+s12+$0x0], vm0;
	_ =	sdelay $0x1  }
0x5e: {  	p4 =	sne.s32 s26, $0x1  }
.Ltmp5:
0x5f: {  	_ = 	snop;
	(pc) =	sbr.rel @!p4 .LBB2_8-.Ltmp5, $4  }
0x60: {  	_ = 	snop  }
0x61: {  	v7 =	vxor.u32 $0x200000, v7  }
0x62: {  	s31 =	simm.s32 $0x1010;
	s2 =	sadd.s32 $0xFFFFFFFF, s26;
	[tilespmem:s24+$0x0] =	vst v7  }
0x63: {  	p3 =	por $0x1, $0x1;
	s30 =	simm.s32 $0x0;
	s29 =	simm.s32 $0x2080;
	v7 =	vld [tilespmem:s31+$0x0]  }
.LBB2_9:
0x64: {  	p4 =	sne.s32 s2, $0x1;
	_ =	sdelay $0x1  }
0x65: {  	s30 =	sadd.s32 $0x10, s30  }
0x66: {  	v8 =	vor.u32 s30, v2  }
0x67: {  	vm0 =	vlt.s32 v8, v3;
	vm1 =	vlt.s32 v7, v5  }
0x68: {  	vm2 =	vge.s32 v7, v4;
	vm0 =	vmand vm0, vm1  }
0x69: {  	v7 =	vsub.s32 v7, v4;
	vm0 =	vmand vm0, vm2  }
0x6a: {  	v7 =	vnsel vm0, $0x0, v7;
	_ =	sdelay $0x4  }
0x6b: {  	v7 =	vld.idx.msk [tilespmem:v7+s12+$0x0], vm0;
	_ =	sdelay $0x3  }
.Ltmp6:
0x6c: {  	(pc) =	sbr.rel @p4 .LBB2_9-.Ltmp6, $4  }
0x6d: {  	_ = 	snop  }
0x6e: {  	s29 =	sadd.s32 $0x10, s29;
	v7 =	vxor.u32 $0x200000, v7  }
0x6f: {  	s31 =	sadd.s32 $0x10, s31;
	[tilespmem:s29+$0x0] =	vst v7  }
0x70: {  	s2 =	sadd.s32 $0xFFFFFFFF, s2;
	v7 =	vld [tilespmem:s31+$0x0]  }
.LBB2_10:
0x71: {  	_ = 	snop  }
0x72: {  	s2 =	sadd.s32 @p3 $0x10, s30;
	s30 =	simm.s32 $0x0  }
0x73: {  	s30 =	smov.u32 @p3 s2  }
0x74: {  	v8 =	vor.u32 s30, v2  }
0x75: {  	vm0 =	vlt.s32 v8, v3;
	vm1 =	vlt.s32 v7, v5  }
0x76: {  	vm2 =	vge.s32 v7, v4;
	vm0 =	vmand vm0, vm1  }
0x77: {  	v7 =	vsub.s32 v7, v4;
	vm0 =	vmand vm0, vm2  }
0x78: {  	v7 =	vnsel vm0, $0x0, v7;
	_ =	sdelay $0x4  }
0x79: {  	v7 =	vld.idx.msk [tilespmem:v7+s12+$0x0], vm0;
	_ =	sdelay $0x2  }
.Ltmp7:
0x7a: {  	_ = 	snop;
	(pc) =	sbr.rel @!p2 .LBB2_11-.Ltmp7, $4  }
0x7b: {  	s2 =	sadd.s32 @p3 $0x10, s29;
	s29 =	simm.s32 $0x2080  }
0x7c: {  	s29 =	smov.u32 @p3 s2;
	v7 =	vxor.u32 $0x200000, v7  }
0x7d: {  	[tilespmem:s29+$0x0] =	vst v7  }
0x7e: {  	v7 =	vld [tilespmem:s28+$0x0]  }
0x7f: {  	_ =	sdelay $0x3  }
0x80: {  	vm0 =	vlt.s32 v6, v3;
	vm1 =	vlt.s32 v7, v5  }
0x81: {  	vm2 =	vge.s32 v7, v4;
	vm0 =	vmand vm0, vm1  }
0x82: {  	v6 =	vsub.s32 v7, v4;
	vm0 =	vmand vm0, vm2  }
0x83: {  	v7 =	vld [tilespmem:s24+$0x0];
	v6 =	vnsel vm0, $0x0, v6  }
0x84: {  	p2 =	sne.s32 s26, $0x1  }
.Ltmp8:
0x85: {  	_ = 	snop;
	(pc) =	sbr.rel @!p2 .LBB2_13-.Ltmp8, $3  }
0x86: {  	_ =	sdelay $0x1  }
0x87: {  	s28 =	simm.s32 $0x1010;
	s29 =	sadd.s32 $0xFFFFFFFF, s26;
	[tilespmem:v6+s12+$0x0] =	vst.idx.msk vm0, v7  }
0x88: {  	p1 =	por $0x1, $0x1;
	s2 =	simm.s32 $0x0;
	s26 =	simm.s32 $0x2080;
	v7 =	vld [tilespmem:s28+$0x0]  }
.LBB2_14:
0x89: {  	p2 =	sne.s32 s29, $0x1;
	_ =	sdelay $0x1  }
0x8a: {  	s2 =	sadd.s32 $0x10, s2  }
0x8b: {  	v6 =	vor.u32 s2, v2  }
0x8c: {  	vm0 =	vlt.s32 v6, v3;
	vm1 =	vlt.s32 v7, v5  }
0x8d: {  	vm2 =	vge.s32 v7, v4;
	vm0 =	vmand vm0, vm1  }
0x8e: {  	s26 =	sadd.s32 $0x10, s26;
	v6 =	vsub.s32 v7, v4;
	vm0 =	vmand vm0, vm2  }
0x8f: {  	v6 =	vnsel vm0, $0x0, v6;
	v7 =	vld [tilespmem:s26+$0x0];
	_ =	sdelay $0x1  }
.Ltmp9:
0x90: {  	(pc) =	sbr.rel @p2 .LBB2_14-.Ltmp9, $3  }
0x91: {  	_ =	sdelay $0x1  }
0x92: {  	s28 =	sadd.s32 $0x10, s28;
	[tilespmem:v6+s12+$0x0] =	vst.idx.msk vm0, v7  }
0x93: {  	s29 =	sadd.s32 $0xFFFFFFFF, s29;
	v7 =	vld [tilespmem:s28+$0x0]  }
.LBB2_15:
0x94: {  	_ = 	snop  }
0x95: {  	s2 =	sadd.s32 @p1 $0x10, s2  }
0x96: {  	s25 =	smov.u32 @p1 s2  }
0x97: {  	v6 =	vor.u32 s25, v2  }
0x98: {  	vm0 =	vlt.s32 v6, v3;
	vm1 =	vlt.s32 v7, v5  }
0x99: {  	s2 =	sadd.s32 @p1 $0x10, s26;
	vm2 =	vge.s32 v7, v4;
	vm0 =	vmand vm0, vm1  }
0x9a: {  	s24 =	smov.u32 @p1 s2;
	v4 =	vsub.s32 v7, v4;
	vm0 =	vmand vm0, vm2  }
0x9b: {  	v5 =	vld [tilespmem:s24+$0x0];
	v4 =	vnsel vm0, $0x0, v4;
	_ =	sdelay $0x4  }
0x9c: {  	[tilespmem:v4+s12+$0x0] =	vst.idx.msk vm0, v5  }
.LBB2_16:
0x9d: {  	s2 =	sor.u32 s5, s22  }
0x9e: {  	s2 =	sshrl.u32 s2, $0x3  }
.Ltmp10:
0x9f: {  	s2 =	sadd.s32 s7, s2;
	(pc) =	sbr.rel @p0 .LBB2_28-.Ltmp10, $4  }
0xa0: {  	[hbm4b:s2+s4] =	stream.linear.scatter [tilespmem:s12], [sflag:$0x3], $0x8000, $0x38;
	[tilespmem:$0x13100] =	vst v63  }
0xa1: {  	_ =	swait.ge [sflag:s16], $0x8000  }
0xa2: {  	[sflag:s16] =	ssyncset.done $0x0  }
0xa3: {  	[sflag:s16] =	ssyncadd.s32 $0xFFFF8000  }
0xa4: {  	p2 =	sne.s32 s20, $0x1  }
.Ltmp11:
0xa5: {  	_ = 	snop;
	(pc) =	sbr.rel @!p2 .LBB2_18-.Ltmp11, $3  }
0xa6: {  	_ =	sdelay $0x1  }
0xa7: {  	s2 =	sadd.s32 $0x10000, s22;
	s28 =	simm.s32 $0x1000;
	s25 =	simm.s32 $0x0  }
0xa8: {  	v4 =	vmov s23;
	s24 =	simm.s32 $0x2080;
	s26 =	sadd.s32 $0xFFFFFFFF, s20;
	p1 =	por $0x0, $0x0;
	v5 =	vmov s2;
	v7 =	vld [tilespmem:s28+$0x0];
	v6 =	vor.u32 s25, v2  }
0xa9: {  	_ =	sdelay $0x3  }
0xaa: {  	vm0 =	vlt.s32 v6, v3;
	vm1 =	vlt.s32 v7, v5  }
0xab: {  	vm2 =	vge.s32 v7, v4;
	vm0 =	vmand vm0, vm1  }
0xac: {  	v7 =	vsub.s32 v7, v4;
	vm0 =	vmand vm0, vm2  }
0xad: {  	v7 =	vnsel vm0, $0x0, v7;
	_ =	sdelay $0x4  }
0xae: {  	v7 =	vld.idx.msk [tilespmem:v7+s13+$0x0], vm0;
	_ =	sdelay $0x1  }
0xaf: {  	p4 =	sne.s32 s26, $0x1  }
.Ltmp12:
0xb0: {  	_ = 	snop;
	(pc) =	sbr.rel @!p4 .LBB2_20-.Ltmp12, $4  }
0xb1: {  	_ = 	snop  }
0xb2: {  	v7 =	vxor.u32 $0x200000, v7  }
0xb3: {  	s31 =	simm.s32 $0x1010;
	s2 =	sadd.s32 $0xFFFFFFFF, s26;
	[tilespmem:s24+$0x0] =	vst v7  }
0xb4: {  	p3 =	por $0x1, $0x1;
	s30 =	simm.s32 $0x0;
	s29 =	simm.s32 $0x2080;
	v7 =	vld [tilespmem:s31+$0x0]  }
.LBB2_21:
0xb5: {  	p4 =	sne.s32 s2, $0x1;
	_ =	sdelay $0x1  }
0xb6: {  	s30 =	sadd.s32 $0x10, s30  }
0xb7: {  	v8 =	vor.u32 s30, v2  }
0xb8: {  	vm0 =	vlt.s32 v8, v3;
	vm1 =	vlt.s32 v7, v5  }
0xb9: {  	vm2 =	vge.s32 v7, v4;
	vm0 =	vmand vm0, vm1  }
0xba: {  	v7 =	vsub.s32 v7, v4;
	vm0 =	vmand vm0, vm2  }
0xbb: {  	v7 =	vnsel vm0, $0x0, v7;
	_ =	sdelay $0x4  }
0xbc: {  	v7 =	vld.idx.msk [tilespmem:v7+s13+$0x0], vm0;
	_ =	sdelay $0x3  }
.Ltmp13:
0xbd: {  	(pc) =	sbr.rel @p4 .LBB2_21-.Ltmp13, $4  }
0xbe: {  	_ = 	snop  }
0xbf: {  	s29 =	sadd.s32 $0x10, s29;
	v7 =	vxor.u32 $0x200000, v7  }
0xc0: {  	s31 =	sadd.s32 $0x10, s31;
	[tilespmem:s29+$0x0] =	vst v7  }
0xc1: {  	s2 =	sadd.s32 $0xFFFFFFFF, s2;
	v7 =	vld [tilespmem:s31+$0x0]  }
.LBB2_22:
0xc2: {  	_ = 	snop  }
0xc3: {  	s2 =	sadd.s32 @p3 $0x10, s30;
	s30 =	simm.s32 $0x0  }
0xc4: {  	s30 =	smov.u32 @p3 s2  }
0xc5: {  	v8 =	vor.u32 s30, v2  }
0xc6: {  	vm0 =	vlt.s32 v8, v3;
	vm1 =	vlt.s32 v7, v5  }
0xc7: {  	vm2 =	vge.s32 v7, v4;
	vm0 =	vmand vm0, vm1  }
0xc8: {  	v7 =	vsub.s32 v7, v4;
	vm0 =	vmand vm0, vm2  }
0xc9: {  	v7 =	vnsel vm0, $0x0, v7;
	_ =	sdelay $0x4  }
0xca: {  	v7 =	vld.idx.msk [tilespmem:v7+s13+$0x0], vm0;
	_ =	sdelay $0x2  }
.Ltmp14:
0xcb: {  	_ = 	snop;
	(pc) =	sbr.rel @!p2 .LBB2_23-.Ltmp14, $4  }
0xcc: {  	s2 =	sadd.s32 @p3 $0x10, s29;
	s29 =	simm.s32 $0x2080  }
0xcd: {  	s29 =	smov.u32 @p3 s2;
	v7 =	vxor.u32 $0x200000, v7  }
0xce: {  	[tilespmem:s29+$0x0] =	vst v7  }
0xcf: {  	v7 =	vld [tilespmem:s28+$0x0]  }
0xd0: {  	_ =	sdelay $0x3  }
0xd1: {  	vm0 =	vlt.s32 v6, v3;
	vm1 =	vlt.s32 v7, v5  }
0xd2: {  	vm2 =	vge.s32 v7, v4;
	vm0 =	vmand vm0, vm1  }
0xd3: {  	v6 =	vsub.s32 v7, v4;
	vm0 =	vmand vm0, vm2  }
0xd4: {  	v7 =	vld [tilespmem:s24+$0x0];
	v6 =	vnsel vm0, $0x0, v6  }
0xd5: {  	p2 =	sne.s32 s26, $0x1  }
.Ltmp15:
0xd6: {  	_ = 	snop;
	(pc) =	sbr.rel @!p2 .LBB2_25-.Ltmp15, $3  }
0xd7: {  	_ =	sdelay $0x1  }
0xd8: {  	s28 =	simm.s32 $0x1010;
	s29 =	sadd.s32 $0xFFFFFFFF, s26;
	[tilespmem:v6+s13+$0x0] =	vst.idx.msk vm0, v7  }
0xd9: {  	p1 =	por $0x1, $0x1;
	s2 =	simm.s32 $0x0;
	s26 =	simm.s32 $0x2080;
	v7 =	vld [tilespmem:s28+$0x0]  }
.LBB2_26:
0xda: {  	p2 =	sne.s32 s29, $0x1;
	_ =	sdelay $0x1  }
0xdb: {  	s2 =	sadd.s32 $0x10, s2  }
0xdc: {  	v6 =	vor.u32 s2, v2  }
0xdd: {  	vm0 =	vlt.s32 v6, v3;
	vm1 =	vlt.s32 v7, v5  }
0xde: {  	vm2 =	vge.s32 v7, v4;
	vm0 =	vmand vm0, vm1  }
0xdf: {  	s26 =	sadd.s32 $0x10, s26;
	v6 =	vsub.s32 v7, v4;
	vm0 =	vmand vm0, vm2  }
0xe0: {  	v6 =	vnsel vm0, $0x0, v6;
	v7 =	vld [tilespmem:s26+$0x0];
	_ =	sdelay $0x1  }
.Ltmp16:
0xe1: {  	(pc) =	sbr.rel @p2 .LBB2_26-.Ltmp16, $3  }
0xe2: {  	_ =	sdelay $0x1  }
0xe3: {  	s28 =	sadd.s32 $0x10, s28;
	[tilespmem:v6+s13+$0x0] =	vst.idx.msk vm0, v7  }
0xe4: {  	s29 =	sadd.s32 $0xFFFFFFFF, s29;
	v7 =	vld [tilespmem:s28+$0x0]  }
.LBB2_27:
0xe5: {  	_ = 	snop  }
0xe6: {  	s2 =	sadd.s32 @p1 $0x10, s2  }
0xe7: {  	s25 =	smov.u32 @p1 s2  }
0xe8: {  	v6 =	vor.u32 s25, v2  }
0xe9: {  	vm0 =	vlt.s32 v6, v3;
	vm1 =	vlt.s32 v7, v5  }
0xea: {  	s2 =	sadd.s32 @p1 $0x10, s26;
	vm2 =	vge.s32 v7, v4;
	vm0 =	vmand vm0, vm1  }
0xeb: {  	s24 =	smov.u32 @p1 s2;
	v4 =	vsub.s32 v7, v4;
	vm0 =	vmand vm0, vm2  }
0xec: {  	v5 =	vld [tilespmem:s24+$0x0];
	v4 =	vnsel vm0, $0x0, v4;
	_ =	sdelay $0x4  }
0xed: {  	[tilespmem:v4+s13+$0x0] =	vst.idx.msk vm0, v5  }
.LBB2_28:
0xee: {  	s2 =	sor.u32 s5, s23  }
0xef: {  	p1 =	seq.s32 s21, $0x3;
	s2 =	sshrl.u32 s2, $0x3  }
.Ltmp17:
0xf0: {  	s2 =	sadd.s32 s7, s2;
	(pc) =	sbr.rel @p1 .LBB2_30-.Ltmp17, $4  }
0xf1: {  	[hbm4b:s2+s4] =	stream.linear.scatter [tilespmem:s13], [sflag:$0x4], $0x8000, $0x38;
	[tilespmem:$0x13100] =	vst v63  }
0xf2: {  	_ =	swait.ge [sflag:s17], $0x8000  }
0xf3: {  	[sflag:s17] =	ssyncset.done $0x0  }
0xf4: {  	[sflag:s17] =	ssyncadd.s32 $0xFFFF8000  }
0xf5: {  	s2 =	sadd.s32 s22, s9  }
0xf6: {  	s2 =	sshrl.u32 s2, $0x3  }
0xf7: {  	s2 =	sadd.s32 s1, s2  }
0xf8: {  	[tilespmem:s12], [sflag:$0x1] =	stream.linear.gather [hbm4b:s2+s4], $0x8000, $0x38;
	[tilespmem:$0x13100] =	vst v63  }
.Ltmp18:
0xf9: {  	_ = 	snop;
	(pc) =	sbr.rel .LBB2_4-.Ltmp18, $4  }
0xfa: {  	s31 =	sadd.s32 s22, s10;
	_ =	swait.ge [sflag:s18], $0x8000  }
0xfb: {  	s2 =	sshrl.u32 s31, $0x3;
	[sflag:s18] =	ssyncset.done $0x0  }
0xfc: {  	s21 =	sadd.s32 $0x1, s21;
	s2 =	sadd.s32 s1, s2;
	[sflag:s18] =	ssyncadd.s32 $0xFFFF8000  }
0xfd: {  	[tilespmem:s13], [sflag:$0x2] =	stream.linear.gather [hbm4b:s2+s4], $0x8000, $0x38;
	[tilespmem:$0x13100] =	vst v63  }
.LBB2_6:
.Ltmp19:
0xfe: {  	(pc) =	sbr.rel .LBB2_10-.Ltmp19, $2  }
0xff: {  	_ =	sdelay $0x2  }
0x100: {  	s30 =	simm.s32 $0x0;
	s29 =	simm.s32 $0x2080;
	p3 =	por $0x0, $0x0  }
.LBB2_11:
.Ltmp20:
0x101: {  	(pc) =	sbr.rel .LBB2_15-.Ltmp20, $2  }
0x102: {  	_ =	sdelay $0x2  }
0x103: {  	s2 =	simm.s32 $0x0;
	s26 =	simm.s32 $0x2080  }
.LBB2_18:
.Ltmp21:
0x104: {  	(pc) =	sbr.rel .LBB2_22-.Ltmp21, $2  }
0x105: {  	_ =	sdelay $0x2  }
0x106: {  	s30 =	simm.s32 $0x0;
	s29 =	simm.s32 $0x2080;
	p3 =	por $0x0, $0x0  }
.LBB2_23:
.Ltmp22:
0x107: {  	(pc) =	sbr.rel .LBB2_27-.Ltmp22, $2  }
0x108: {  	_ =	sdelay $0x2  }
0x109: {  	s2 =	simm.s32 $0x0;
	s26 =	simm.s32 $0x2080  }
.LBB2_8:
.Ltmp23:
0x10a: {  	(pc) =	sbr.rel .LBB2_10-.Ltmp23, $2  }
0x10b: {  	_ =	sdelay $0x2  }
0x10c: {  	s30 =	simm.s32 $0x0;
	s29 =	simm.s32 $0x2080  }
.LBB2_13:
.Ltmp24:
0x10d: {  	(pc) =	sbr.rel .LBB2_15-.Ltmp24, $2  }
0x10e: {  	_ =	sdelay $0x2  }
0x10f: {  	s2 =	simm.s32 $0x0;
	s26 =	simm.s32 $0x2080  }
.LBB2_20:
.Ltmp25:
0x110: {  	(pc) =	sbr.rel .LBB2_22-.Ltmp25, $2  }
0x111: {  	_ =	sdelay $0x2  }
0x112: {  	s30 =	simm.s32 $0x0;
	s29 =	simm.s32 $0x2080  }
.LBB2_25:
.Ltmp26:
0x113: {  	(pc) =	sbr.rel .LBB2_27-.Ltmp26, $2  }
0x114: {  	_ =	sdelay $0x2  }
0x115: {  	s2 =	simm.s32 $0x0;
	s26 =	simm.s32 $0x2080  }
.LBB2_31:
0x116: {  	_ =	sfence.sel $0x180000  }
0x117: {  	[bflag:$0x0] =	sbarrier.arrive $0xFFFF  }
0x118: {  	_ =	strace $0x90000047  }
0x119: {  	[bflag:$0x2] =	sbarrier.arrive $0xFFFF  }
0x11a: {  	p0 =	sne.s32 s0, $0x0;
	s0 =	rddreg [dreg:$0x3]  }
0x11b: {  	s0 =	sadd.s32 @!p0 $0x100000, s0  }
0x11c: {  	[sflag:s0] =	ssyncadd.tile.s32 @!p0 $0x1;
	_ =	shalt  }
.Lfunc_end2:
_tile_overlayer_lowered:
.L_overlay_start_2:
0x11d: {  	(tag) =	ssettag $0x2  }
0x11e: {  	s0 =	rddreg [dreg:$0x0];
	s2 =	stileid.u32  }
0x11f: {  	s1 =	rddreg [dreg:$0x1];
	p0 =	sne.s32 s2, $0x0  }
0x120: {  	s3 =	rddreg [dreg:$0x2];
	[bflag:$0x3] =	sbarrier.arrive $0xFFFF;
	s2 =	simm.s32 @!p0 $0x1C05  }
0x121: {  	[timem:s3], [sflag:s2] =	dma.local @!p0 [hbm:s0], s1  }
0x122: {  	s0 =	simm.s32 @!p0 $0x5  }
0x123: {  	_ =	swait.ge @!p0 [sflag:s0], s1  }
0x124: {  	s1 =	ssub.s32 @!p0 $0x0, s1;
	[sflag:s0] =	ssyncset.done @!p0 $0x0  }
0x125: {  	[sflag:s0] =	ssyncadd.s32 @!p0 s1  }
0x126: {  	[bflag:$0x3] =	sbarrier.arrive $0xFFFF  }
0x127: {  	_ =	shalt  }

</sc_bundles>
